<compile_context>
chip_gen: v7x
topology: tpu7x:2x2x1
jax: 0.10.2.dev20260603
libtpu: 0.0.44.dev20260713+nightly
codegen_flags: <defaults>
</compile_context>

<pallas_src>
import numpy as np

import jax
import jax.numpy as jnp
from jax import lax
from jax.experimental import pallas as pl
from jax.experimental.pallas import tpu as pltpu
from jax.experimental.pallas import tpu_sc as plsc

B = 4096
L_SEQ = 200
EMB = 64
HIDDEN = 768
VOCAB_N = 100000

NC = 2
NS = 16
NW = NC * NS
EPW = B // NW
C0 = 104
C1 = L_SEQ - C0

UNROLL = 8
NBUF = 8

_PERM = np.concatenate([
    np.arange(0, 32, 2), np.arange(1, 32, 2),
    np.arange(32, 64, 2), np.arange(33, 64, 2),
])


def _sc_pool_body(ids_hbm, table_hbm, out_hbm, idx_v, rows_v, out_v, sem):
    wid = lax.axis_index("s") * NC + lax.axis_index("c")
    pltpu.sync_copy(ids_hbm.at[wid], idx_v)

    inv_l = jnp.full((16,), 1.0 / L_SEQ, dtype=jnp.float32)
    himask = jnp.full((16,), -65536, dtype=jnp.int32)

    def issue(b, buf):
        pltpu.async_copy(
            table_hbm.at[idx_v.at[b, pl.ds(0, C0)]],
            rows_v.at[buf, pl.ds(0, C0)], sem.at[buf])
        pltpu.async_copy(
            table_hbm.at[idx_v.at[b, pl.ds(C0, C1)]],
            rows_v.at[buf, pl.ds(C0, C1)], sem.at[buf])

    for p in range(NBUF - 1):
        issue(p, p)

    def per_row(b, _):
        buf = lax.rem(b, NBUF)

        @pl.when(b < EPW - (NBUF - 1))
        def _():
            issue(b + NBUF - 1, lax.rem(b + NBUF - 1, NBUF))

        pltpu.make_async_copy(
            table_hbm.at[pl.ds(0, L_SEQ)], rows_v.at[buf], sem.at[buf]
        ).wait()

        def acc_body(t, carry):
            a0, a1, a2, a3 = carry
            base = t * UNROLL
            for u in range(UNROLL):
                j = base + u
                v0 = plsc.bitcast(rows_v[buf, j, pl.ds(0, 32)], jnp.int32)
                v1 = plsc.bitcast(rows_v[buf, j, pl.ds(32, 32)], jnp.int32)
                a0 = a0 + plsc.bitcast(v0 << 16, jnp.float32)
                a1 = a1 + plsc.bitcast(v0 & himask, jnp.float32)
                a2 = a2 + plsc.bitcast(v1 << 16, jnp.float32)
                a3 = a3 + plsc.bitcast(v1 & himask, jnp.float32)
            return a0, a1, a2, a3

        z = jnp.zeros((16,), jnp.float32)
        a0, a1, a2, a3 = lax.fori_loop(
            0, L_SEQ // UNROLL, acc_body, (z, z, z, z))
        out_v[b, pl.ds(0, 16)] = a0 * inv_l
        out_v[b, pl.ds(16, 16)] = a1 * inv_l
        out_v[b, pl.ds(32, 16)] = a2 * inv_l
        out_v[b, pl.ds(48, 16)] = a3 * inv_l
        return 0

    lax.fori_loop(0, EPW, per_row, 0)
    pltpu.sync_copy(out_v, out_hbm.at[wid])


def _sc_pool(ids3, tableb):
    mesh = plsc.VectorSubcoreMesh(
        core_axis_name="c", subcore_axis_name="s", num_cores=NC,
        num_subcores=NS)
    k = pl.kernel(
        _sc_pool_body,
        out_type=jax.ShapeDtypeStruct((NW, EPW, EMB), jnp.float32),
        mesh=mesh,
        scratch_types=[
            pltpu.VMEM((EPW, L_SEQ), jnp.int32),
            pltpu.VMEM((NBUF, L_SEQ, EMB), jnp.bfloat16),
            pltpu.VMEM((EPW, EMB), jnp.float32),
            pltpu.SemaphoreType.DMA((NBUF,)),
        ],
        compiler_params=pltpu.CompilerParams(
            use_tc_tiling_on_sc=False, needs_layout_passes=False),
    )
    return k(ids3, tableb)


def _mlp_body(x_ref, w1_ref, b1_ref, w2t_ref, b2_ref, out_ref):
    x = x_ref[...].astype(jnp.bfloat16)
    h = jnp.dot(x, w1_ref[...], preferred_element_type=jnp.float32)
    h = jnp.maximum(h + b1_ref[...], 0.0)
    o = jnp.sum(h * w2t_ref[...], axis=1) + b2_ref[0, 0]
    out_ref[...] = o[None, :]


def _mlp(pooled, W1p, b1, W2, b2):
    nblk = 8
    bblk = B // nblk
    out = pl.pallas_call(
        _mlp_body,
        grid=(nblk,),
        in_specs=[
            pl.BlockSpec((bblk, EMB), lambda i: (i, 0)),
            pl.BlockSpec((EMB, HIDDEN), lambda i: (0, 0)),
            pl.BlockSpec((1, HIDDEN), lambda i: (0, 0)),
            pl.BlockSpec((1, HIDDEN), lambda i: (0, 0)),
            pl.BlockSpec((1, 1), lambda i: (0, 0)),
        ],
        out_specs=pl.BlockSpec((1, bblk), lambda i: (0, i)),
        out_shape=jax.ShapeDtypeStruct((1, B), jnp.float32),
    )(pooled, W1p, b1.reshape(1, HIDDEN), W2.reshape(1, HIDDEN),
      b2.reshape(1, 1))
    return out.reshape(B)


def kernel(ids, table, W1, b1, W2, b2):
    ids3 = ids.astype(jnp.int32).reshape(NW, EPW, L_SEQ)
    tableb = table.astype(jnp.bfloat16)
    pooled = _sc_pool(ids3, tableb).reshape(B, EMB)
    W1p = jnp.take(W1, _PERM, axis=0).astype(jnp.bfloat16)
    return _mlp(pooled, W1p, b1, W2, b2)

# --- scband reference (transcript-rebuilt; emitter-appended) ---
"""Pipeline reference for scband-simple-reward-model-61933428408701 (READ-ONLY COPY).

The authoritative reference and input builder live on the scoring server;
editing this copy changes nothing except your own understanding.
"""

import jax, jax.numpy as jnp
import numpy as np

VOCAB = 100000
EMB = 64
HIDDEN = 768
B = 4096
L = 200

def setup_inputs(seed: int = 0) -> dict:
    key = jax.random.key(seed)
    k_ids, k_emb, k_w1, k_b1, k_w2, k_b2 = jax.random.split(key, 6)
    ids = jax.random.randint(k_ids, (B, L), 0, VOCAB, dtype=jnp.int64 if jax.config.jax_enable_x64 else jnp.int32)
    table = jax.random.normal(k_emb, (VOCAB, EMB), dtype=jnp.float32)
    W1 = jax.random.normal(k_w1, (EMB, HIDDEN), dtype=jnp.float32) * (1.0 / np.sqrt(EMB))
    b1 = jax.random.normal(k_b1, (HIDDEN,), dtype=jnp.float32) * 0.01
    W2 = jax.random.normal(k_w2, (HIDDEN, 1), dtype=jnp.float32) * (1.0 / np.sqrt(HIDDEN))
    b2 = jax.random.normal(k_b2, (1,), dtype=jnp.float32) * 0.01
    return {"ids": ids, "table": table, "W1": W1, "b1": b1, "W2": W2, "b2": b2}

def reference(ids, table, W1, b1, W2, b2):
    # x = emb(ids).mean(dim=1)
    x = jnp.take(table, ids, axis=0)          # [B, L, EMB] gather
    x = jnp.mean(x, axis=1)                    # [B, EMB]
    # head: Linear -> ReLU -> Linear, then squeeze(-1)
    h = jnp.maximum(x @ W1 + b1, 0.0)          # [B, HIDDEN]
    out = h @ W2 + b2                          # [B, 1]
    return jnp.squeeze(out, axis=-1)           # [B]

if __name__ == "__main__":
    import jax
    _d = setup_inputs()
    print(jax.jit(kernel)(*tuple(_d.values())))

</pallas_src>

<mosaic_0001>
#map = affine_map<(d0, d1) -> (0, 0, 0)>
#map1 = affine_map<(d0, d1) -> (0, 0)>
module attributes {stable_mosaic.version = 14 : i64} {
  func.func @_sc_pool_body(%arg0: i32, %arg1: i32, %arg2: memref<32x128x200xi32, #tpu.memory_space<hbm>>, %arg3: memref<100000x64xbf16, #tpu.memory_space<hbm>>, %arg4: memref<32x128x64xf32, #tpu.memory_space<hbm>>, %arg5: memref<128x200xi32, #tpu.memory_space<vmem>>, %arg6: memref<8x200x64xbf16, #tpu.memory_space<vmem>>, %arg7: memref<128x64xf32, #tpu.memory_space<vmem>>, %arg8: memref<8x!tpu.dma_semaphore, #tpu.memory_space<semaphore_mem>>) attributes {dimension_semantics = [#tpu.dimension_semantics<core_parallel>, #tpu.dimension_semantics<subcore_parallel>], iteration_bounds = array<i64: 2, 16>, scalar_prefetch = 0 : i64, scratch_operands = 4 : i64, tpu.core_type = #tpu.core_type<sc_vector_subcore>, window_params = [{transform_indices = #map}, {transform_indices = #map1}, {transform_indices = #map}]} {
    %mul3A = arith.constant 2 : i32
    %mul3A_0 = arith.muli %arg1, %mul3A : i32
    %add3A = arith.addi %mul3A_0, %arg0 : i32
    "tpu.region"() ({
      %run_scoped3A = tpu.sem_alloc : memref<!tpu.dma_semaphore, #tpu.memory_space<semaphore_mem>>
      %dma_start3A_219 = arith.constant 0 : i32
      %dma_start3A_220 = arith.constant 0 : i32
      %dma_start3A_221 = tpu.memref_slice %arg2[%add3A, %dma_start3A_219, %dma_start3A_220] : memref<32x128x200xi32, #tpu.memory_space<hbm>> -> memref<1x128x200xi32, #tpu.memory_space<hbm>>
      %dma_start3A_222 = tpu.memref_squeeze %dma_start3A_221 : memref<1x128x200xi32, #tpu.memory_space<hbm>> -> memref<128x200xi32, #tpu.memory_space<hbm>>
      %dma_start3A_223 = arith.constant 0 : i32
      %dma_start3A_224 = arith.constant 0 : i32
      %dma_start3A_225 = tpu.memref_slice %arg2[%add3A, %dma_start3A_223, %dma_start3A_224] : memref<32x128x200xi32, #tpu.memory_space<hbm>> -> memref<1x128x200xi32, #tpu.memory_space<hbm>>
      %dma_start3A_226 = tpu.memref_squeeze %dma_start3A_225 : memref<1x128x200xi32, #tpu.memory_space<hbm>> -> memref<128x200xi32, #tpu.memory_space<hbm>>
      tpu.enqueue_dma source(%dma_start3A_226 : memref<128x200xi32, #tpu.memory_space<hbm>>) target(%arg5 : memref<128x200xi32, #tpu.memory_space<vmem>>) target_semaphore(%run_scoped3A : memref<!tpu.dma_semaphore, #tpu.memory_space<semaphore_mem>>)
      %dma_wait3A = arith.constant 0 : i32
      %dma_wait3A_227 = arith.constant 0 : i32
      %dma_wait3A_228 = tpu.memref_slice %arg2[%add3A, %dma_wait3A, %dma_wait3A_227] : memref<32x128x200xi32, #tpu.memory_space<hbm>> -> memref<1x128x200xi32, #tpu.memory_space<hbm>>
      %dma_wait3A_229 = tpu.memref_squeeze %dma_wait3A_228 : memref<1x128x200xi32, #tpu.memory_space<hbm>> -> memref<128x200xi32, #tpu.memory_space<hbm>>
      %dma_wait3A_230 = arith.constant 0 : i32
      %dma_wait3A_231 = arith.constant 0 : i32
      %dma_wait3A_232 = tpu.memref_slice %arg2[%add3A, %dma_wait3A_230, %dma_wait3A_231] : memref<32x128x200xi32, #tpu.memory_space<hbm>> -> memref<1x128x200xi32, #tpu.memory_space<hbm>>
      %dma_wait3A_233 = tpu.memref_squeeze %dma_wait3A_232 : memref<1x128x200xi32, #tpu.memory_space<hbm>> -> memref<128x200xi32, #tpu.memory_space<hbm>>
      tpu.wait_dma2 semaphore(%run_scoped3A : memref<!tpu.dma_semaphore, #tpu.memory_space<semaphore_mem>>) src(%dma_wait3A_233 : memref<128x200xi32, #tpu.memory_space<hbm>>) dst(%arg5 : memref<128x200xi32, #tpu.memory_space<vmem>>)
      tpu.yield
    }) : () -> ()
    %broadcast_in_dim3A = arith.constant 5.000000e-03 : f32
    %broadcast_in_dim3A_1 = vector.broadcast %broadcast_in_dim3A : f32 to vector<16xf32>
    %broadcast_in_dim3A_2 = arith.constant -65536 : i32
    %broadcast_in_dim3A_3 = vector.broadcast %broadcast_in_dim3A_2 : i32 to vector<16xi32>
    %dma_start3A = arith.constant 0 : i32
    %dma_start3A_4 = arith.constant 0 : i32
    %dma_start3A_5 = arith.constant 0 : i32
    %dma_start3A_6 = arith.constant 0 : i32
    %dma_start3A_7 = arith.constant 0 : i32
    %dma_start3A_8 = tpu.memref_slice %arg6[%dma_start3A_4, %dma_start3A_6, %dma_start3A_7] : memref<8x200x64xbf16, #tpu.memory_space<vmem>> -> memref<1x104x64xbf16, #tpu.memory_space<vmem>>
    %dma_start3A_9 = tpu.memref_squeeze %dma_start3A_8 : memref<1x104x64xbf16, #tpu.memory_space<vmem>> -> memref<104x64xbf16, #tpu.memory_space<vmem>>
    %dma_start3A_10 = arith.constant 0 : i32
    %dma_start3A_11 = tpu.memref_slice %arg5[%dma_start3A, %dma_start3A_10] : memref<128x200xi32, #tpu.memory_space<vmem>> -> memref<1x104xi32, #tpu.memory_space<vmem>>
    %dma_start3A_12 = tpu.memref_squeeze %dma_start3A_11 : memref<1x104xi32, #tpu.memory_space<vmem>> -> memref<104xi32, #tpu.memory_space<vmem>>
    %dma_start3A_13 = arith.constant 0 : i32
    %dma_start3A_14 = arith.constant 0 : i32
    %dma_start3A_15 = tpu.memref_slice %arg3[%dma_start3A_13, %dma_start3A_14] : memref<100000x64xbf16, #tpu.memory_space<hbm>> -> memref<100000x64xbf16, #tpu.memory_space<hbm>>
    %dma_start3A_16 = tpu.memref_slice %arg8[%dma_start3A_5] : memref<8x!tpu.dma_semaphore, #tpu.memory_space<semaphore_mem>> -> memref<1x!tpu.dma_semaphore, #tpu.memory_space<semaphore_mem>>
    %dma_start3A_17 = tpu.memref_squeeze %dma_start3A_16 : memref<1x!tpu.dma_semaphore, #tpu.memory_space<semaphore_mem>> -> memref<!tpu.dma_semaphore, #tpu.memory_space<semaphore_mem>>
    tpu.enqueue_indirect_dma source(%dma_start3A_15 : memref<100000x64xbf16, #tpu.memory_space<hbm>>) target(%dma_start3A_9 : memref<104x64xbf16, #tpu.memory_space<vmem>>) offsets(%dma_start3A_12 : memref<104xi32, #tpu.memory_space<vmem>>) semaphore(%dma_start3A_17 : memref<!tpu.dma_semaphore, #tpu.memory_space<semaphore_mem>>)
    %dma_start3A_18 = arith.constant 0 : i32
    %dma_start3A_19 = arith.constant 0 : i32
    %dma_start3A_20 = arith.constant 0 : i32
    %dma_start3A_21 = arith.constant 104 : i32
    %dma_start3A_22 = arith.constant 0 : i32
    %dma_start3A_23 = tpu.memref_slice %arg6[%dma_start3A_19, %dma_start3A_21, %dma_start3A_22] : memref<8x200x64xbf16, #tpu.memory_space<vmem>> -> memref<1x96x64xbf16, #tpu.memory_space<vmem>>
    %dma_start3A_24 = tpu.memref_squeeze %dma_start3A_23 : memref<1x96x64xbf16, #tpu.memory_space<vmem>> -> memref<96x64xbf16, #tpu.memory_space<vmem>>
    %dma_start3A_25 = arith.constant 104 : i32
    %dma_start3A_26 = tpu.memref_slice %arg5[%dma_start3A_18, %dma_start3A_25] : memref<128x200xi32, #tpu.memory_space<vmem>> -> memref<1x96xi32, #tpu.memory_space<vmem>>
    %dma_start3A_27 = tpu.memref_squeeze %dma_start3A_26 : memref<1x96xi32, #tpu.memory_space<vmem>> -> memref<96xi32, #tpu.memory_space<vmem>>
    %dma_start3A_28 = arith.constant 0 : i32
    %dma_start3A_29 = arith.constant 0 : i32
    %dma_start3A_30 = tpu.memref_slice %arg3[%dma_start3A_28, %dma_start3A_29] : memref<100000x64xbf16, #tpu.memory_space<hbm>> -> memref<100000x64xbf16, #tpu.memory_space<hbm>>
    %dma_start3A_31 = tpu.memref_slice %arg8[%dma_start3A_20] : memref<8x!tpu.dma_semaphore, #tpu.memory_space<semaphore_mem>> -> memref<1x!tpu.dma_semaphore, #tpu.memory_space<semaphore_mem>>
    %dma_start3A_32 = tpu.memref_squeeze %dma_start3A_31 : memref<1x!tpu.dma_semaphore, #tpu.memory_space<semaphore_mem>> -> memref<!tpu.dma_semaphore, #tpu.memory_space<semaphore_mem>>
    tpu.enqueue_indirect_dma source(%dma_start3A_30 : memref<100000x64xbf16, #tpu.memory_space<hbm>>) target(%dma_start3A_24 : memref<96x64xbf16, #tpu.memory_space<vmem>>) offsets(%dma_start3A_27 : memref<96xi32, #tpu.memory_space<vmem>>) semaphore(%dma_start3A_32 : memref<!tpu.dma_semaphore, #tpu.memory_space<semaphore_mem>>)
    %dma_start3A_33 = arith.constant 1 : i32
    %dma_start3A_34 = arith.constant 1 : i32
    %dma_start3A_35 = arith.constant 1 : i32
    %dma_start3A_36 = arith.constant 0 : i32
    %dma_start3A_37 = arith.constant 0 : i32
    %dma_start3A_38 = tpu.memref_slice %arg6[%dma_start3A_34, %dma_start3A_36, %dma_start3A_37] : memref<8x200x64xbf16, #tpu.memory_space<vmem>> -> memref<1x104x64xbf16, #tpu.memory_space<vmem>>
    %dma_start3A_39 = tpu.memref_squeeze %dma_start3A_38 : memref<1x104x64xbf16, #tpu.memory_space<vmem>> -> memref<104x64xbf16, #tpu.memory_space<vmem>>
    %dma_start3A_40 = arith.constant 0 : i32
    %dma_start3A_41 = tpu.memref_slice %arg5[%dma_start3A_33, %dma_start3A_40] : memref<128x200xi32, #tpu.memory_space<vmem>> -> memref<1x104xi32, #tpu.memory_space<vmem>>
    %dma_start3A_42 = tpu.memref_squeeze %dma_start3A_41 : memref<1x104xi32, #tpu.memory_space<vmem>> -> memref<104xi32, #tpu.memory_space<vmem>>
    %dma_start3A_43 = arith.constant 0 : i32
    %dma_start3A_44 = arith.constant 0 : i32
    %dma_start3A_45 = tpu.memref_slice %arg3[%dma_start3A_43, %dma_start3A_44] : memref<100000x64xbf16, #tpu.memory_space<hbm>> -> memref<100000x64xbf16, #tpu.memory_space<hbm>>
    %dma_start3A_46 = tpu.memref_slice %arg8[%dma_start3A_35] : memref<8x!tpu.dma_semaphore, #tpu.memory_space<semaphore_mem>> -> memref<1x!tpu.dma_semaphore, #tpu.memory_space<semaphore_mem>>
    %dma_start3A_47 = tpu.memref_squeeze %dma_start3A_46 : memref<1x!tpu.dma_semaphore, #tpu.memory_space<semaphore_mem>> -> memref<!tpu.dma_semaphore, #tpu.memory_space<semaphore_mem>>
    tpu.enqueue_indirect_dma source(%dma_start3A_45 : memref<100000x64xbf16, #tpu.memory_space<hbm>>) target(%dma_start3A_39 : memref<104x64xbf16, #tpu.memory_space<vmem>>) offsets(%dma_start3A_42 : memref<104xi32, #tpu.memory_space<vmem>>) semaphore(%dma_start3A_47 : memref<!tpu.dma_semaphore, #tpu.memory_space<semaphore_mem>>)
    %dma_start3A_48 = arith.constant 1 : i32
    %dma_start3A_49 = arith.constant 1 : i32
    %dma_start3A_50 = arith.constant 1 : i32
    %dma_start3A_51 = arith.constant 104 : i32
    %dma_start3A_52 = arith.constant 0 : i32
    %dma_start3A_53 = tpu.memref_slice %arg6[%dma_start3A_49, %dma_start3A_51, %dma_start3A_52] : memref<8x200x64xbf16, #tpu.memory_space<vmem>> -> memref<1x96x64xbf16, #tpu.memory_space<vmem>>
    %dma_start3A_54 = tpu.memref_squeeze %dma_start3A_53 : memref<1x96x64xbf16, #tpu.memory_space<vmem>> -> memref<96x64xbf16, #tpu.memory_space<vmem>>
    %dma_start3A_55 = arith.constant 104 : i32
    %dma_start3A_56 = tpu.memref_slice %arg5[%dma_start3A_48, %dma_start3A_55] : memref<128x200xi32, #tpu.memory_space<vmem>> -> memref<1x96xi32, #tpu.memory_space<vmem>>
    %dma_start3A_57 = tpu.memref_squeeze %dma_start3A_56 : memref<1x96xi32, #tpu.memory_space<vmem>> -> memref<96xi32, #tpu.memory_space<vmem>>
    %dma_start3A_58 = arith.constant 0 : i32
    %dma_start3A_59 = arith.constant 0 : i32
    %dma_start3A_60 = tpu.memref_slice %arg3[%dma_start3A_58, %dma_start3A_59] : memref<100000x64xbf16, #tpu.memory_space<hbm>> -> memref<100000x64xbf16, #tpu.memory_space<hbm>>
    %dma_start3A_61 = tpu.memref_slice %arg8[%dma_start3A_50] : memref<8x!tpu.dma_semaphore, #tpu.memory_space<semaphore_mem>> -> memref<1x!tpu.dma_semaphore, #tpu.memory_space<semaphore_mem>>
    %dma_start3A_62 = tpu.memref_squeeze %dma_start3A_61 : memref<1x!tpu.dma_semaphore, #tpu.memory_space<semaphore_mem>> -> memref<!tpu.dma_semaphore, #tpu.memory_space<semaphore_mem>>
    tpu.enqueue_indirect_dma source(%dma_start3A_60 : memref<100000x64xbf16, #tpu.memory_space<hbm>>) target(%dma_start3A_54 : memref<96x64xbf16, #tpu.memory_space<vmem>>) offsets(%dma_start3A_57 : memref<96xi32, #tpu.memory_space<vmem>>) semaphore(%dma_start3A_62 : memref<!tpu.dma_semaphore, #tpu.memory_space<semaphore_mem>>)
    %dma_start3A_63 = arith.constant 2 : i32
    %dma_start3A_64 = arith.constant 2 : i32
    %dma_start3A_65 = arith.constant 2 : i32
    %dma_start3A_66 = arith.constant 0 : i32
    %dma_start3A_67 = arith.constant 0 : i32
    %dma_start3A_68 = tpu.memref_slice %arg6[%dma_start3A_64, %dma_start3A_66, %dma_start3A_67] : memref<8x200x64xbf16, #tpu.memory_space<vmem>> -> memref<1x104x64xbf16, #tpu.memory_space<vmem>>
    %dma_start3A_69 = tpu.memref_squeeze %dma_start3A_68 : memref<1x104x64xbf16, #tpu.memory_space<vmem>> -> memref<104x64xbf16, #tpu.memory_space<vmem>>
    %dma_start3A_70 = arith.constant 0 : i32
    %dma_start3A_71 = tpu.memref_slice %arg5[%dma_start3A_63, %dma_start3A_70] : memref<128x200xi32, #tpu.memory_space<vmem>> -> memref<1x104xi32, #tpu.memory_space<vmem>>
    %dma_start3A_72 = tpu.memref_squeeze %dma_start3A_71 : memref<1x104xi32, #tpu.memory_space<vmem>> -> memref<104xi32, #tpu.memory_space<vmem>>
    %dma_start3A_73 = arith.constant 0 : i32
    %dma_start3A_74 = arith.constant 0 : i32
    %dma_start3A_75 = tpu.memref_slice %arg3[%dma_start3A_73, %dma_start3A_74] : memref<100000x64xbf16, #tpu.memory_space<hbm>> -> memref<100000x64xbf16, #tpu.memory_space<hbm>>
    %dma_start3A_76 = tpu.memref_slice %arg8[%dma_start3A_65] : memref<8x!tpu.dma_semaphore, #tpu.memory_space<semaphore_mem>> -> memref<1x!tpu.dma_semaphore, #tpu.memory_space<semaphore_mem>>
    %dma_start3A_77 = tpu.memref_squeeze %dma_start3A_76 : memref<1x!tpu.dma_semaphore, #tpu.memory_space<semaphore_mem>> -> memref<!tpu.dma_semaphore, #tpu.memory_space<semaphore_mem>>
    tpu.enqueue_indirect_dma source(%dma_start3A_75 : memref<100000x64xbf16, #tpu.memory_space<hbm>>) target(%dma_start3A_69 : memref<104x64xbf16, #tpu.memory_space<vmem>>) offsets(%dma_start3A_72 : memref<104xi32, #tpu.memory_space<vmem>>) semaphore(%dma_start3A_77 : memref<!tpu.dma_semaphore, #tpu.memory_space<semaphore_mem>>)
    %dma_start3A_78 = arith.constant 2 : i32
    %dma_start3A_79 = arith.constant 2 : i32
    %dma_start3A_80 = arith.constant 2 : i32
    %dma_start3A_81 = arith.constant 104 : i32
    %dma_start3A_82 = arith.constant 0 : i32
    %dma_start3A_83 = tpu.memref_slice %arg6[%dma_start3A_79, %dma_start3A_81, %dma_start3A_82] : memref<8x200x64xbf16, #tpu.memory_space<vmem>> -> memref<1x96x64xbf16, #tpu.memory_space<vmem>>
    %dma_start3A_84 = tpu.memref_squeeze %dma_start3A_83 : memref<1x96x64xbf16, #tpu.memory_space<vmem>> -> memref<96x64xbf16, #tpu.memory_space<vmem>>
    %dma_start3A_85 = arith.constant 104 : i32
    %dma_start3A_86 = tpu.memref_slice %arg5[%dma_start3A_78, %dma_start3A_85] : memref<128x200xi32, #tpu.memory_space<vmem>> -> memref<1x96xi32, #tpu.memory_space<vmem>>
    %dma_start3A_87 = tpu.memref_squeeze %dma_start3A_86 : memref<1x96xi32, #tpu.memory_space<vmem>> -> memref<96xi32, #tpu.memory_space<vmem>>
    %dma_start3A_88 = arith.constant 0 : i32
    %dma_start3A_89 = arith.constant 0 : i32
    %dma_start3A_90 = tpu.memref_slice %arg3[%dma_start3A_88, %dma_start3A_89] : memref<100000x64xbf16, #tpu.memory_space<hbm>> -> memref<100000x64xbf16, #tpu.memory_space<hbm>>
    %dma_start3A_91 = tpu.memref_slice %arg8[%dma_start3A_80] : memref<8x!tpu.dma_semaphore, #tpu.memory_space<semaphore_mem>> -> memref<1x!tpu.dma_semaphore, #tpu.memory_space<semaphore_mem>>
    %dma_start3A_92 = tpu.memref_squeeze %dma_start3A_91 : memref<1x!tpu.dma_semaphore, #tpu.memory_space<semaphore_mem>> -> memref<!tpu.dma_semaphore, #tpu.memory_space<semaphore_mem>>
    tpu.enqueue_indirect_dma source(%dma_start3A_90 : memref<100000x64xbf16, #tpu.memory_space<hbm>>) target(%dma_start3A_84 : memref<96x64xbf16, #tpu.memory_space<vmem>>) offsets(%dma_start3A_87 : memref<96xi32, #tpu.memory_space<vmem>>) semaphore(%dma_start3A_92 : memref<!tpu.dma_semaphore, #tpu.memory_space<semaphore_mem>>)
    %dma_start3A_93 = arith.constant 3 : i32
    %dma_start3A_94 = arith.constant 3 : i32
    %dma_start3A_95 = arith.constant 3 : i32
    %dma_start3A_96 = arith.constant 0 : i32
    %dma_start3A_97 = arith.constant 0 : i32
    %dma_start3A_98 = tpu.memref_slice %arg6[%dma_start3A_94, %dma_start3A_96, %dma_start3A_97] : memref<8x200x64xbf16, #tpu.memory_space<vmem>> -> memref<1x104x64xbf16, #tpu.memory_space<vmem>>
    %dma_start3A_99 = tpu.memref_squeeze %dma_start3A_98 : memref<1x104x64xbf16, #tpu.memory_space<vmem>> -> memref<104x64xbf16, #tpu.memory_space<vmem>>
    %dma_start3A_100 = arith.constant 0 : i32
    %dma_start3A_101 = tpu.memref_slice %arg5[%dma_start3A_93, %dma_start3A_100] : memref<128x200xi32, #tpu.memory_space<vmem>> -> memref<1x104xi32, #tpu.memory_space<vmem>>
    %dma_start3A_102 = tpu.memref_squeeze %dma_start3A_101 : memref<1x104xi32, #tpu.memory_space<vmem>> -> memref<104xi32, #tpu.memory_space<vmem>>
    %dma_start3A_103 = arith.constant 0 : i32
    %dma_start3A_104 = arith.constant 0 : i32
    %dma_start3A_105 = tpu.memref_slice %arg3[%dma_start3A_103, %dma_start3A_104] : memref<100000x64xbf16, #tpu.memory_space<hbm>> -> memref<100000x64xbf16, #tpu.memory_space<hbm>>
    %dma_start3A_106 = tpu.memref_slice %arg8[%dma_start3A_95] : memref<8x!tpu.dma_semaphore, #tpu.memory_space<semaphore_mem>> -> memref<1x!tpu.dma_semaphore, #tpu.memory_space<semaphore_mem>>
    %dma_start3A_107 = tpu.memref_squeeze %dma_start3A_106 : memref<1x!tpu.dma_semaphore, #tpu.memory_space<semaphore_mem>> -> memref<!tpu.dma_semaphore, #tpu.memory_space<semaphore_mem>>
    tpu.enqueue_indirect_dma source(%dma_start3A_105 : memref<100000x64xbf16, #tpu.memory_space<hbm>>) target(%dma_start3A_99 : memref<104x64xbf16, #tpu.memory_space<vmem>>) offsets(%dma_start3A_102 : memref<104xi32, #tpu.memory_space<vmem>>) semaphore(%dma_start3A_107 : memref<!tpu.dma_semaphore, #tpu.memory_space<semaphore_mem>>)
    %dma_start3A_108 = arith.constant 3 : i32
    %dma_start3A_109 = arith.constant 3 : i32
    %dma_start3A_110 = arith.constant 3 : i32
    %dma_start3A_111 = arith.constant 104 : i32
    %dma_start3A_112 = arith.constant 0 : i32
    %dma_start3A_113 = tpu.memref_slice %arg6[%dma_start3A_109, %dma_start3A_111, %dma_start3A_112] : memref<8x200x64xbf16, #tpu.memory_space<vmem>> -> memref<1x96x64xbf16, #tpu.memory_space<vmem>>
    %dma_start3A_114 = tpu.memref_squeeze %dma_start3A_113 : memref<1x96x64xbf16, #tpu.memory_space<vmem>> -> memref<96x64xbf16, #tpu.memory_space<vmem>>
    %dma_start3A_115 = arith.constant 104 : i32
    %dma_start3A_116 = tpu.memref_slice %arg5[%dma_start3A_108, %dma_start3A_115] : memref<128x200xi32, #tpu.memory_space<vmem>> -> memref<1x96xi32, #tpu.memory_space<vmem>>
    %dma_start3A_117 = tpu.memref_squeeze %dma_start3A_116 : memref<1x96xi32, #tpu.memory_space<vmem>> -> memref<96xi32, #tpu.memory_space<vmem>>
    %dma_start3A_118 = arith.constant 0 : i32
    %dma_start3A_119 = arith.constant 0 : i32
    %dma_start3A_120 = tpu.memref_slice %arg3[%dma_start3A_118, %dma_start3A_119] : memref<100000x64xbf16, #tpu.memory_space<hbm>> -> memref<100000x64xbf16, #tpu.memory_space<hbm>>
    %dma_start3A_121 = tpu.memref_slice %arg8[%dma_start3A_110] : memref<8x!tpu.dma_semaphore, #tpu.memory_space<semaphore_mem>> -> memref<1x!tpu.dma_semaphore, #tpu.memory_space<semaphore_mem>>
    %dma_start3A_122 = tpu.memref_squeeze %dma_start3A_121 : memref<1x!tpu.dma_semaphore, #tpu.memory_space<semaphore_mem>> -> memref<!tpu.dma_semaphore, #tpu.memory_space<semaphore_mem>>
    tpu.enqueue_indirect_dma source(%dma_start3A_120 : memref<100000x64xbf16, #tpu.memory_space<hbm>>) target(%dma_start3A_114 : memref<96x64xbf16, #tpu.memory_space<vmem>>) offsets(%dma_start3A_117 : memref<96xi32, #tpu.memory_space<vmem>>) semaphore(%dma_start3A_122 : memref<!tpu.dma_semaphore, #tpu.memory_space<semaphore_mem>>)
    %dma_start3A_123 = arith.constant 4 : i32
    %dma_start3A_124 = arith.constant 4 : i32
    %dma_start3A_125 = arith.constant 4 : i32
    %dma_start3A_126 = arith.constant 0 : i32
    %dma_start3A_127 = arith.constant 0 : i32
    %dma_start3A_128 = tpu.memref_slice %arg6[%dma_start3A_124, %dma_start3A_126, %dma_start3A_127] : memref<8x200x64xbf16, #tpu.memory_space<vmem>> -> memref<1x104x64xbf16, #tpu.memory_space<vmem>>
    %dma_start3A_129 = tpu.memref_squeeze %dma_start3A_128 : memref<1x104x64xbf16, #tpu.memory_space<vmem>> -> memref<104x64xbf16, #tpu.memory_space<vmem>>
    %dma_start3A_130 = arith.constant 0 : i32
    %dma_start3A_131 = tpu.memref_slice %arg5[%dma_start3A_123, %dma_start3A_130] : memref<128x200xi32, #tpu.memory_space<vmem>> -> memref<1x104xi32, #tpu.memory_space<vmem>>
    %dma_start3A_132 = tpu.memref_squeeze %dma_start3A_131 : memref<1x104xi32, #tpu.memory_space<vmem>> -> memref<104xi32, #tpu.memory_space<vmem>>
    %dma_start3A_133 = arith.constant 0 : i32
    %dma_start3A_134 = arith.constant 0 : i32
    %dma_start3A_135 = tpu.memref_slice %arg3[%dma_start3A_133, %dma_start3A_134] : memref<100000x64xbf16, #tpu.memory_space<hbm>> -> memref<100000x64xbf16, #tpu.memory_space<hbm>>
    %dma_start3A_136 = tpu.memref_slice %arg8[%dma_start3A_125] : memref<8x!tpu.dma_semaphore, #tpu.memory_space<semaphore_mem>> -> memref<1x!tpu.dma_semaphore, #tpu.memory_space<semaphore_mem>>
    %dma_start3A_137 = tpu.memref_squeeze %dma_start3A_136 : memref<1x!tpu.dma_semaphore, #tpu.memory_space<semaphore_mem>> -> memref<!tpu.dma_semaphore, #tpu.memory_space<semaphore_mem>>
    tpu.enqueue_indirect_dma source(%dma_start3A_135 : memref<100000x64xbf16, #tpu.memory_space<hbm>>) target(%dma_start3A_129 : memref<104x64xbf16, #tpu.memory_space<vmem>>) offsets(%dma_start3A_132 : memref<104xi32, #tpu.memory_space<vmem>>) semaphore(%dma_start3A_137 : memref<!tpu.dma_semaphore, #tpu.memory_space<semaphore_mem>>)
    %dma_start3A_138 = arith.constant 4 : i32
    %dma_start3A_139 = arith.constant 4 : i32
    %dma_start3A_140 = arith.constant 4 : i32
    %dma_start3A_141 = arith.constant 104 : i32
    %dma_start3A_142 = arith.constant 0 : i32
    %dma_start3A_143 = tpu.memref_slice %arg6[%dma_start3A_139, %dma_start3A_141, %dma_start3A_142] : memref<8x200x64xbf16, #tpu.memory_space<vmem>> -> memref<1x96x64xbf16, #tpu.memory_space<vmem>>
    %dma_start3A_144 = tpu.memref_squeeze %dma_start3A_143 : memref<1x96x64xbf16, #tpu.memory_space<vmem>> -> memref<96x64xbf16, #tpu.memory_space<vmem>>
    %dma_start3A_145 = arith.constant 104 : i32
    %dma_start3A_146 = tpu.memref_slice %arg5[%dma_start3A_138, %dma_start3A_145] : memref<128x200xi32, #tpu.memory_space<vmem>> -> memref<1x96xi32, #tpu.memory_space<vmem>>
    %dma_start3A_147 = tpu.memref_squeeze %dma_start3A_146 : memref<1x96xi32, #tpu.memory_space<vmem>> -> memref<96xi32, #tpu.memory_space<vmem>>
    %dma_start3A_148 = arith.constant 0 : i32
    %dma_start3A_149 = arith.constant 0 : i32
    %dma_start3A_150 = tpu.memref_slice %arg3[%dma_start3A_148, %dma_start3A_149] : memref<100000x64xbf16, #tpu.memory_space<hbm>> -> memref<100000x64xbf16, #tpu.memory_space<hbm>>
    %dma_start3A_151 = tpu.memref_slice %arg8[%dma_start3A_140] : memref<8x!tpu.dma_semaphore, #tpu.memory_space<semaphore_mem>> -> memref<1x!tpu.dma_semaphore, #tpu.memory_space<semaphore_mem>>
    %dma_start3A_152 = tpu.memref_squeeze %dma_start3A_151 : memref<1x!tpu.dma_semaphore, #tpu.memory_space<semaphore_mem>> -> memref<!tpu.dma_semaphore, #tpu.memory_space<semaphore_mem>>
    tpu.enqueue_indirect_dma source(%dma_start3A_150 : memref<100000x64xbf16, #tpu.memory_space<hbm>>) target(%dma_start3A_144 : memref<96x64xbf16, #tpu.memory_space<vmem>>) offsets(%dma_start3A_147 : memref<96xi32, #tpu.memory_space<vmem>>) semaphore(%dma_start3A_152 : memref<!tpu.dma_semaphore, #tpu.memory_space<semaphore_mem>>)
    %dma_start3A_153 = arith.constant 5 : i32
    %dma_start3A_154 = arith.constant 5 : i32
    %dma_start3A_155 = arith.constant 5 : i32
    %dma_start3A_156 = arith.constant 0 : i32
    %dma_start3A_157 = arith.constant 0 : i32
    %dma_start3A_158 = tpu.memref_slice %arg6[%dma_start3A_154, %dma_start3A_156, %dma_start3A_157] : memref<8x200x64xbf16, #tpu.memory_space<vmem>> -> memref<1x104x64xbf16, #tpu.memory_space<vmem>>
    %dma_start3A_159 = tpu.memref_squeeze %dma_start3A_158 : memref<1x104x64xbf16, #tpu.memory_space<vmem>> -> memref<104x64xbf16, #tpu.memory_space<vmem>>
    %dma_start3A_160 = arith.constant 0 : i32
    %dma_start3A_161 = tpu.memref_slice %arg5[%dma_start3A_153, %dma_start3A_160] : memref<128x200xi32, #tpu.memory_space<vmem>> -> memref<1x104xi32, #tpu.memory_space<vmem>>
    %dma_start3A_162 = tpu.memref_squeeze %dma_start3A_161 : memref<1x104xi32, #tpu.memory_space<vmem>> -> memref<104xi32, #tpu.memory_space<vmem>>
    %dma_start3A_163 = arith.constant 0 : i32
    %dma_start3A_164 = arith.constant 0 : i32
    %dma_start3A_165 = tpu.memref_slice %arg3[%dma_start3A_163, %dma_start3A_164] : memref<100000x64xbf16, #tpu.memory_space<hbm>> -> memref<100000x64xbf16, #tpu.memory_space<hbm>>
    %dma_start3A_166 = tpu.memref_slice %arg8[%dma_start3A_155] : memref<8x!tpu.dma_semaphore, #tpu.memory_space<semaphore_mem>> -> memref<1x!tpu.dma_semaphore, #tpu.memory_space<semaphore_mem>>
    %dma_start3A_167 = tpu.memref_squeeze %dma_start3A_166 : memref<1x!tpu.dma_semaphore, #tpu.memory_space<semaphore_mem>> -> memref<!tpu.dma_semaphore, #tpu.memory_space<semaphore_mem>>
    tpu.enqueue_indirect_dma source(%dma_start3A_165 : memref<100000x64xbf16, #tpu.memory_space<hbm>>) target(%dma_start3A_159 : memref<104x64xbf16, #tpu.memory_space<vmem>>) offsets(%dma_start3A_162 : memref<104xi32, #tpu.memory_space<vmem>>) semaphore(%dma_start3A_167 : memref<!tpu.dma_semaphore, #tpu.memory_space<semaphore_mem>>)
    %dma_start3A_168 = arith.constant 5 : i32
    %dma_start3A_169 = arith.constant 5 : i32
    %dma_start3A_170 = arith.constant 5 : i32
    %dma_start3A_171 = arith.constant 104 : i32
    %dma_start3A_172 = arith.constant 0 : i32
    %dma_start3A_173 = tpu.memref_slice %arg6[%dma_start3A_169, %dma_start3A_171, %dma_start3A_172] : memref<8x200x64xbf16, #tpu.memory_space<vmem>> -> memref<1x96x64xbf16, #tpu.memory_space<vmem>>
    %dma_start3A_174 = tpu.memref_squeeze %dma_start3A_173 : memref<1x96x64xbf16, #tpu.memory_space<vmem>> -> memref<96x64xbf16, #tpu.memory_space<vmem>>
    %dma_start3A_175 = arith.constant 104 : i32
    %dma_start3A_176 = tpu.memref_slice %arg5[%dma_start3A_168, %dma_start3A_175] : memref<128x200xi32, #tpu.memory_space<vmem>> -> memref<1x96xi32, #tpu.memory_space<vmem>>
    %dma_start3A_177 = tpu.memref_squeeze %dma_start3A_176 : memref<1x96xi32, #tpu.memory_space<vmem>> -> memref<96xi32, #tpu.memory_space<vmem>>
    %dma_start3A_178 = arith.constant 0 : i32
    %dma_start3A_179 = arith.constant 0 : i32
    %dma_start3A_180 = tpu.memref_slice %arg3[%dma_start3A_178, %dma_start3A_179] : memref<100000x64xbf16, #tpu.memory_space<hbm>> -> memref<100000x64xbf16, #tpu.memory_space<hbm>>
    %dma_start3A_181 = tpu.memref_slice %arg8[%dma_start3A_170] : memref<8x!tpu.dma_semaphore, #tpu.memory_space<semaphore_mem>> -> memref<1x!tpu.dma_semaphore, #tpu.memory_space<semaphore_mem>>
    %dma_start3A_182 = tpu.memref_squeeze %dma_start3A_181 : memref<1x!tpu.dma_semaphore, #tpu.memory_space<semaphore_mem>> -> memref<!tpu.dma_semaphore, #tpu.memory_space<semaphore_mem>>
    tpu.enqueue_indirect_dma source(%dma_start3A_180 : memref<100000x64xbf16, #tpu.memory_space<hbm>>) target(%dma_start3A_174 : memref<96x64xbf16, #tpu.memory_space<vmem>>) offsets(%dma_start3A_177 : memref<96xi32, #tpu.memory_space<vmem>>) semaphore(%dma_start3A_182 : memref<!tpu.dma_semaphore, #tpu.memory_space<semaphore_mem>>)
    %dma_start3A_183 = arith.constant 6 : i32
    %dma_start3A_184 = arith.constant 6 : i32
    %dma_start3A_185 = arith.constant 6 : i32
    %dma_start3A_186 = arith.constant 0 : i32
    %dma_start3A_187 = arith.constant 0 : i32
    %dma_start3A_188 = tpu.memref_slice %arg6[%dma_start3A_184, %dma_start3A_186, %dma_start3A_187] : memref<8x200x64xbf16, #tpu.memory_space<vmem>> -> memref<1x104x64xbf16, #tpu.memory_space<vmem>>
    %dma_start3A_189 = tpu.memref_squeeze %dma_start3A_188 : memref<1x104x64xbf16, #tpu.memory_space<vmem>> -> memref<104x64xbf16, #tpu.memory_space<vmem>>
    %dma_start3A_190 = arith.constant 0 : i32
    %dma_start3A_191 = tpu.memref_slice %arg5[%dma_start3A_183, %dma_start3A_190] : memref<128x200xi32, #tpu.memory_space<vmem>> -> memref<1x104xi32, #tpu.memory_space<vmem>>
    %dma_start3A_192 = tpu.memref_squeeze %dma_start3A_191 : memref<1x104xi32, #tpu.memory_space<vmem>> -> memref<104xi32, #tpu.memory_space<vmem>>
    %dma_start3A_193 = arith.constant 0 : i32
    %dma_start3A_194 = arith.constant 0 : i32
    %dma_start3A_195 = tpu.memref_slice %arg3[%dma_start3A_193, %dma_start3A_194] : memref<100000x64xbf16, #tpu.memory_space<hbm>> -> memref<100000x64xbf16, #tpu.memory_space<hbm>>
    %dma_start3A_196 = tpu.memref_slice %arg8[%dma_start3A_185] : memref<8x!tpu.dma_semaphore, #tpu.memory_space<semaphore_mem>> -> memref<1x!tpu.dma_semaphore, #tpu.memory_space<semaphore_mem>>
    %dma_start3A_197 = tpu.memref_squeeze %dma_start3A_196 : memref<1x!tpu.dma_semaphore, #tpu.memory_space<semaphore_mem>> -> memref<!tpu.dma_semaphore, #tpu.memory_space<semaphore_mem>>
    tpu.enqueue_indirect_dma source(%dma_start3A_195 : memref<100000x64xbf16, #tpu.memory_space<hbm>>) target(%dma_start3A_189 : memref<104x64xbf16, #tpu.memory_space<vmem>>) offsets(%dma_start3A_192 : memref<104xi32, #tpu.memory_space<vmem>>) semaphore(%dma_start3A_197 : memref<!tpu.dma_semaphore, #tpu.memory_space<semaphore_mem>>)
    %dma_start3A_198 = arith.constant 6 : i32
    %dma_start3A_199 = arith.constant 6 : i32
    %dma_start3A_200 = arith.constant 6 : i32
    %dma_start3A_201 = arith.constant 104 : i32
    %dma_start3A_202 = arith.constant 0 : i32
    %dma_start3A_203 = tpu.memref_slice %arg6[%dma_start3A_199, %dma_start3A_201, %dma_start3A_202] : memref<8x200x64xbf16, #tpu.memory_space<vmem>> -> memref<1x96x64xbf16, #tpu.memory_space<vmem>>
    %dma_start3A_204 = tpu.memref_squeeze %dma_start3A_203 : memref<1x96x64xbf16, #tpu.memory_space<vmem>> -> memref<96x64xbf16, #tpu.memory_space<vmem>>
    %dma_start3A_205 = arith.constant 104 : i32
    %dma_start3A_206 = tpu.memref_slice %arg5[%dma_start3A_198, %dma_start3A_205] : memref<128x200xi32, #tpu.memory_space<vmem>> -> memref<1x96xi32, #tpu.memory_space<vmem>>
    %dma_start3A_207 = tpu.memref_squeeze %dma_start3A_206 : memref<1x96xi32, #tpu.memory_space<vmem>> -> memref<96xi32, #tpu.memory_space<vmem>>
    %dma_start3A_208 = arith.constant 0 : i32
    %dma_start3A_209 = arith.constant 0 : i32
    %dma_start3A_210 = tpu.memref_slice %arg3[%dma_start3A_208, %dma_start3A_209] : memref<100000x64xbf16, #tpu.memory_space<hbm>> -> memref<100000x64xbf16, #tpu.memory_space<hbm>>
    %dma_start3A_211 = tpu.memref_slice %arg8[%dma_start3A_200] : memref<8x!tpu.dma_semaphore, #tpu.memory_space<semaphore_mem>> -> memref<1x!tpu.dma_semaphore, #tpu.memory_space<semaphore_mem>>
    %dma_start3A_212 = tpu.memref_squeeze %dma_start3A_211 : memref<1x!tpu.dma_semaphore, #tpu.memory_space<semaphore_mem>> -> memref<!tpu.dma_semaphore, #tpu.memory_space<semaphore_mem>>
    tpu.enqueue_indirect_dma source(%dma_start3A_210 : memref<100000x64xbf16, #tpu.memory_space<hbm>>) target(%dma_start3A_204 : memref<96x64xbf16, #tpu.memory_space<vmem>>) offsets(%dma_start3A_207 : memref<96xi32, #tpu.memory_space<vmem>>) semaphore(%dma_start3A_212 : memref<!tpu.dma_semaphore, #tpu.memory_space<semaphore_mem>>)
    %scan3A = arith.constant 0 : i32
    %scan3A_213 = arith.constant 0 : i32
    %scan3A_214 = arith.constant 128 : i32
    %scan3A_215 = arith.addi %scan3A_213, %scan3A_214 : i32
    %scan3A_216 = arith.constant 1 : i32
    %scan3A_217 = scf.for %scan3A_219 = %scan3A_213 to %scan3A_215 step %scan3A_216 iter_args(%scan3A_220 = %scan3A) -> (i32)  : i32 {
      %rem3A = arith.constant 8 : i32
      %rem3A_221 = arith.remsi %scan3A_219, %rem3A : i32
      %lt3A = arith.constant 121 : i32
      %lt3A_222 = arith.cmpi slt, %scan3A_219, %lt3A : i32
      %convert_element_type3A = arith.extui %lt3A_222 : i1 to i32
      %cond3A = arith.constant 0 : i32
      %cond3A_223 = arith.cmpi ne, %convert_element_type3A, %cond3A : i32
      scf.if %cond3A_223 {
        %add3A_263 = arith.constant 8 : i32
        %add3A_264 = arith.addi %scan3A_219, %add3A_263 : i32
        %sub3A = arith.constant 1 : i32
        %sub3A_265 = arith.subi %add3A_264, %sub3A : i32
        %add3A_266 = arith.constant 8 : i32
        %add3A_267 = arith.addi %scan3A_219, %add3A_266 : i32
        %sub3A_268 = arith.constant 1 : i32
        %sub3A_269 = arith.subi %add3A_267, %sub3A_268 : i32
        %rem3A_270 = arith.constant 8 : i32
        %rem3A_271 = arith.remsi %sub3A_269, %rem3A_270 : i32
        %dma_start3A_272 = arith.constant 0 : i32
        %dma_start3A_273 = arith.constant 0 : i32
        %dma_start3A_274 = tpu.memref_slice %arg6[%rem3A_271, %dma_start3A_272, %dma_start3A_273] : memref<8x200x64xbf16, #tpu.memory_space<vmem>> -> memref<1x104x64xbf16, #tpu.memory_space<vmem>>
        %dma_start3A_275 = tpu.memref_squeeze %dma_start3A_274 : memref<1x104x64xbf16, #tpu.memory_space<vmem>> -> memref<104x64xbf16, #tpu.memory_space<vmem>>
        %dma_start3A_276 = arith.constant 0 : i32
        %dma_start3A_277 = tpu.memref_slice %arg5[%sub3A_265, %dma_start3A_276] : memref<128x200xi32, #tpu.memory_space<vmem>> -> memref<1x104xi32, #tpu.memory_space<vmem>>
        %dma_start3A_278 = tpu.memref_squeeze %dma_start3A_277 : memref<1x104xi32, #tpu.memory_space<vmem>> -> memref<104xi32, #tpu.memory_space<vmem>>
        %dma_start3A_279 = arith.constant 0 : i32
        %dma_start3A_280 = arith.constant 0 : i32
        %dma_start3A_281 = tpu.memref_slice %arg3[%dma_start3A_279, %dma_start3A_280] : memref<100000x64xbf16, #tpu.memory_space<hbm>> -> memref<100000x64xbf16, #tpu.memory_space<hbm>>
        %dma_start3A_282 = tpu.memref_slice %arg8[%rem3A_271] : memref<8x!tpu.dma_semaphore, #tpu.memory_space<semaphore_mem>> -> memref<1x!tpu.dma_semaphore, #tpu.memory_space<semaphore_mem>>
        %dma_start3A_283 = tpu.memref_squeeze %dma_start3A_282 : memref<1x!tpu.dma_semaphore, #tpu.memory_space<semaphore_mem>> -> memref<!tpu.dma_semaphore, #tpu.memory_space<semaphore_mem>>
        tpu.enqueue_indirect_dma source(%dma_start3A_281 : memref<100000x64xbf16, #tpu.memory_space<hbm>>) target(%dma_start3A_275 : memref<104x64xbf16, #tpu.memory_space<vmem>>) offsets(%dma_start3A_278 : memref<104xi32, #tpu.memory_space<vmem>>) semaphore(%dma_start3A_283 : memref<!tpu.dma_semaphore, #tpu.memory_space<semaphore_mem>>)
        %dma_start3A_284 = arith.constant 104 : i32
        %dma_start3A_285 = arith.constant 0 : i32
        %dma_start3A_286 = tpu.memref_slice %arg6[%rem3A_271, %dma_start3A_284, %dma_start3A_285] : memref<8x200x64xbf16, #tpu.memory_space<vmem>> -> memref<1x96x64xbf16, #tpu.memory_space<vmem>>
        %dma_start3A_287 = tpu.memref_squeeze %dma_start3A_286 : memref<1x96x64xbf16, #tpu.memory_space<vmem>> -> memref<96x64xbf16, #tpu.memory_space<vmem>>
        %dma_start3A_288 = arith.constant 104 : i32
        %dma_start3A_289 = tpu.memref_slice %arg5[%sub3A_265, %dma_start3A_288] : memref<128x200xi32, #tpu.memory_space<vmem>> -> memref<1x96xi32, #tpu.memory_space<vmem>>
        %dma_start3A_290 = tpu.memref_squeeze %dma_start3A_289 : memref<1x96xi32, #tpu.memory_space<vmem>> -> memref<96xi32, #tpu.memory_space<vmem>>
        %dma_start3A_291 = arith.constant 0 : i32
        %dma_start3A_292 = arith.constant 0 : i32
        %dma_start3A_293 = tpu.memref_slice %arg3[%dma_start3A_291, %dma_start3A_292] : memref<100000x64xbf16, #tpu.memory_space<hbm>> -> memref<100000x64xbf16, #tpu.memory_space<hbm>>
        %dma_start3A_294 = tpu.memref_slice %arg8[%rem3A_271] : memref<8x!tpu.dma_semaphore, #tpu.memory_space<semaphore_mem>> -> memref<1x!tpu.dma_semaphore, #tpu.memory_space<semaphore_mem>>
        %dma_start3A_295 = tpu.memref_squeeze %dma_start3A_294 : memref<1x!tpu.dma_semaphore, #tpu.memory_space<semaphore_mem>> -> memref<!tpu.dma_semaphore, #tpu.memory_space<semaphore_mem>>
        tpu.enqueue_indirect_dma source(%dma_start3A_293 : memref<100000x64xbf16, #tpu.memory_space<hbm>>) target(%dma_start3A_287 : memref<96x64xbf16, #tpu.memory_space<vmem>>) offsets(%dma_start3A_290 : memref<96xi32, #tpu.memory_space<vmem>>) semaphore(%dma_start3A_295 : memref<!tpu.dma_semaphore, #tpu.memory_space<semaphore_mem>>)
      } else {
      }
      %dma_wait3A = arith.constant 0 : i32
      %dma_wait3A_224 = arith.constant 0 : i32
      %dma_wait3A_225 = tpu.memref_slice %arg6[%rem3A_221, %dma_wait3A, %dma_wait3A_224] : memref<8x200x64xbf16, #tpu.memory_space<vmem>> -> memref<1x200x64xbf16, #tpu.memory_space<vmem>>
      %dma_wait3A_226 = tpu.memref_squeeze %dma_wait3A_225 : memref<1x200x64xbf16, #tpu.memory_space<vmem>> -> memref<200x64xbf16, #tpu.memory_space<vmem>>
      %dma_wait3A_227 = arith.constant 0 : i32
      %dma_wait3A_228 = arith.constant 0 : i32
      %dma_wait3A_229 = tpu.memref_slice %arg3[%dma_wait3A_227, %dma_wait3A_228] : memref<100000x64xbf16, #tpu.memory_space<hbm>> -> memref<200x64xbf16, #tpu.memory_space<hbm>>
      %dma_wait3A_230 = tpu.memref_slice %arg8[%rem3A_221] : memref<8x!tpu.dma_semaphore, #tpu.memory_space<semaphore_mem>> -> memref<1x!tpu.dma_semaphore, #tpu.memory_space<semaphore_mem>>
      %dma_wait3A_231 = tpu.memref_squeeze %dma_wait3A_230 : memref<1x!tpu.dma_semaphore, #tpu.memory_space<semaphore_mem>> -> memref<!tpu.dma_semaphore, #tpu.memory_space<semaphore_mem>>
      %dma_wait3A_232 = arith.constant 0 : i32
      %dma_wait3A_233 = arith.constant 0 : i32
      %dma_wait3A_234 = tpu.memref_slice %arg6[%rem3A_221, %dma_wait3A_232, %dma_wait3A_233] : memref<8x200x64xbf16, #tpu.memory_space<vmem>> -> memref<1x200x64xbf16, #tpu.memory_space<vmem>>
      %dma_wait3A_235 = tpu.memref_squeeze %dma_wait3A_234 : memref<1x200x64xbf16, #tpu.memory_space<vmem>> -> memref<200x64xbf16, #tpu.memory_space<vmem>>
      %dma_wait3A_236 = arith.constant 0 : i32
      %dma_wait3A_237 = arith.constant 0 : i32
      %dma_wait3A_238 = tpu.memref_slice %arg3[%dma_wait3A_236, %dma_wait3A_237] : memref<100000x64xbf16, #tpu.memory_space<hbm>> -> memref<200x64xbf16, #tpu.memory_space<hbm>>
      tpu.wait_dma2 semaphore(%dma_wait3A_231 : memref<!tpu.dma_semaphore, #tpu.memory_space<semaphore_mem>>) src(%dma_wait3A_238 : memref<200x64xbf16, #tpu.memory_space<hbm>>) dst(%dma_wait3A_235 : memref<200x64xbf16, #tpu.memory_space<vmem>>)
      %broadcast_in_dim3A_239 = arith.constant 0.000000e+00 : f32
      %broadcast_in_dim3A_240 = vector.broadcast %broadcast_in_dim3A_239 : f32 to vector<16xf32>
      %scan3A_241 = arith.constant 0 : i32
      %scan3A_242 = arith.constant 25 : i32
      %scan3A_243 = arith.addi %scan3A_241, %scan3A_242 : i32
      %scan3A_244 = arith.constant 1 : i32
      %scan3A_245:4 = scf.for %scan3A_263 = %scan3A_241 to %scan3A_243 step %scan3A_244 iter_args(%scan3A_264 = %broadcast_in_dim3A_240, %scan3A_265 = %broadcast_in_dim3A_240, %scan3A_266 = %broadcast_in_dim3A_240, %scan3A_267 = %broadcast_in_dim3A_240) -> (vector<16xf32>, vector<16xf32>, vector<16xf32>, vector<16xf32>)  : i32 {
        %mul3A_268 = arith.constant 8 : i32
        %mul3A_269 = arith.muli %scan3A_263, %mul3A_268 : i32
        %add3A_270 = arith.constant 0 : i32
        %add3A_271 = arith.addi %mul3A_269, %add3A_270 : i32
        %get3A = arith.index_cast %rem3A_221 : i32 to index
        %get3A_272 = arith.index_cast %add3A_271 : i32 to index
        %get3A_273 = arith.constant 0 : index
        %get3A_274 = tpu.vector_load %arg6[%get3A, %get3A_272, %get3A_273] {strides = array<i32>} : memref<8x200x64xbf16, #tpu.memory_space<vmem>>, vector<32xbf16>,
        %bitcast3A = vector.bitcast %get3A_274 : vector<32xbf16> to vector<16xi32>
        %get3A_275 = arith.index_cast %rem3A_221 : i32 to index
        %get3A_276 = arith.index_cast %add3A_271 : i32 to index
        %get3A_277 = arith.constant 32 : index
        %get3A_278 = tpu.vector_load %arg6[%get3A_275, %get3A_276, %get3A_277] {strides = array<i32>} : memref<8x200x64xbf16, #tpu.memory_space<vmem>>, vector<32xbf16>,
        %bitcast3A_279 = vector.bitcast %get3A_278 : vector<32xbf16> to vector<16xi32>
        %shift_left3A = arith.constant 16 : i32
        %shift_left3A_280 = vector.broadcast %shift_left3A : i32 to vector<16xi32>
        %shift_left3A_281 = arith.shli %bitcast3A, %shift_left3A_280 : vector<16xi32>
        %bitcast3A_282 = vector.bitcast %shift_left3A_281 : vector<16xi32> to vector<16xf32>
        %add3A_283 = arith.addf %scan3A_264, %bitcast3A_282 : vector<16xf32>
        %and3A = arith.andi %bitcast3A, %broadcast_in_dim3A_3 : vector<16xi32>
        %bitcast3A_284 = vector.bitcast %and3A : vector<16xi32> to vector<16xf32>
        %add3A_285 = arith.addf %scan3A_265, %bitcast3A_284 : vector<16xf32>
        %shift_left3A_286 = arith.constant 16 : i32
        %shift_left3A_287 = vector.broadcast %shift_left3A_286 : i32 to vector<16xi32>
        %shift_left3A_288 = arith.shli %bitcast3A_279, %shift_left3A_287 : vector<16xi32>
        %bitcast3A_289 = vector.bitcast %shift_left3A_288 : vector<16xi32> to vector<16xf32>
        %add3A_290 = arith.addf %scan3A_266, %bitcast3A_289 : vector<16xf32>
        %and3A_291 = arith.andi %bitcast3A_279, %broadcast_in_dim3A_3 : vector<16xi32>
        %bitcast3A_292 = vector.bitcast %and3A_291 : vector<16xi32> to vector<16xf32>
        %add3A_293 = arith.addf %scan3A_267, %bitcast3A_292 : vector<16xf32>
        %add3A_294 = arith.constant 1 : i32
        %add3A_295 = arith.addi %mul3A_269, %add3A_294 : i32
        %get3A_296 = arith.index_cast %rem3A_221 : i32 to index
        %get3A_297 = arith.index_cast %add3A_295 : i32 to index
        %get3A_298 = arith.constant 0 : index
        %get3A_299 = tpu.vector_load %arg6[%get3A_296, %get3A_297, %get3A_298] {strides = array<i32>} : memref<8x200x64xbf16, #tpu.memory_space<vmem>>, vector<32xbf16>,
        %bitcast3A_300 = vector.bitcast %get3A_299 : vector<32xbf16> to vector<16xi32>
        %get3A_301 = arith.index_cast %rem3A_221 : i32 to index
        %get3A_302 = arith.index_cast %add3A_295 : i32 to index
        %get3A_303 = arith.constant 32 : index
        %get3A_304 = tpu.vector_load %arg6[%get3A_301, %get3A_302, %get3A_303] {strides = array<i32>} : memref<8x200x64xbf16, #tpu.memory_space<vmem>>, vector<32xbf16>,
        %bitcast3A_305 = vector.bitcast %get3A_304 : vector<32xbf16> to vector<16xi32>
        %shift_left3A_306 = arith.constant 16 : i32
        %shift_left3A_307 = vector.broadcast %shift_left3A_306 : i32 to vector<16xi32>
        %shift_left3A_308 = arith.shli %bitcast3A_300, %shift_left3A_307 : vector<16xi32>
        %bitcast3A_309 = vector.bitcast %shift_left3A_308 : vector<16xi32> to vector<16xf32>
        %add3A_310 = arith.addf %add3A_283, %bitcast3A_309 : vector<16xf32>
        %and3A_311 = arith.andi %bitcast3A_300, %broadcast_in_dim3A_3 : vector<16xi32>
        %bitcast3A_312 = vector.bitcast %and3A_311 : vector<16xi32> to vector<16xf32>
        %add3A_313 = arith.addf %add3A_285, %bitcast3A_312 : vector<16xf32>
        %shift_left3A_314 = arith.constant 16 : i32
        %shift_left3A_315 = vector.broadcast %shift_left3A_314 : i32 to vector<16xi32>
        %shift_left3A_316 = arith.shli %bitcast3A_305, %shift_left3A_315 : vector<16xi32>
        %bitcast3A_317 = vector.bitcast %shift_left3A_316 : vector<16xi32> to vector<16xf32>
        %add3A_318 = arith.addf %add3A_290, %bitcast3A_317 : vector<16xf32>
        %and3A_319 = arith.andi %bitcast3A_305, %broadcast_in_dim3A_3 : vector<16xi32>
        %bitcast3A_320 = vector.bitcast %and3A_319 : vector<16xi32> to vector<16xf32>
        %add3A_321 = arith.addf %add3A_293, %bitcast3A_320 : vector<16xf32>
        %add3A_322 = arith.constant 2 : i32
        %add3A_323 = arith.addi %mul3A_269, %add3A_322 : i32
        %get3A_324 = arith.index_cast %rem3A_221 : i32 to index
        %get3A_325 = arith.index_cast %add3A_323 : i32 to index
        %get3A_326 = arith.constant 0 : index
        %get3A_327 = tpu.vector_load %arg6[%get3A_324, %get3A_325, %get3A_326] {strides = array<i32>} : memref<8x200x64xbf16, #tpu.memory_space<vmem>>, vector<32xbf16>,
        %bitcast3A_328 = vector.bitcast %get3A_327 : vector<32xbf16> to vector<16xi32>
        %get3A_329 = arith.index_cast %rem3A_221 : i32 to index
        %get3A_330 = arith.index_cast %add3A_323 : i32 to index
        %get3A_331 = arith.constant 32 : index
        %get3A_332 = tpu.vector_load %arg6[%get3A_329, %get3A_330, %get3A_331] {strides = array<i32>} : memref<8x200x64xbf16, #tpu.memory_space<vmem>>, vector<32xbf16>,
        %bitcast3A_333 = vector.bitcast %get3A_332 : vector<32xbf16> to vector<16xi32>
        %shift_left3A_334 = arith.constant 16 : i32
        %shift_left3A_335 = vector.broadcast %shift_left3A_334 : i32 to vector<16xi32>
        %shift_left3A_336 = arith.shli %bitcast3A_328, %shift_left3A_335 : vector<16xi32>
        %bitcast3A_337 = vector.bitcast %shift_left3A_336 : vector<16xi32> to vector<16xf32>
        %add3A_338 = arith.addf %add3A_310, %bitcast3A_337 : vector<16xf32>
        %and3A_339 = arith.andi %bitcast3A_328, %broadcast_in_dim3A_3 : vector<16xi32>
        %bitcast3A_340 = vector.bitcast %and3A_339 : vector<16xi32> to vector<16xf32>
        %add3A_341 = arith.addf %add3A_313, %bitcast3A_340 : vector<16xf32>
        %shift_left3A_342 = arith.constant 16 : i32
        %shift_left3A_343 = vector.broadcast %shift_left3A_342 : i32 to vector<16xi32>
        %shift_left3A_344 = arith.shli %bitcast3A_333, %shift_left3A_343 : vector<16xi32>
        %bitcast3A_345 = vector.bitcast %shift_left3A_344 : vector<16xi32> to vector<16xf32>
        %add3A_346 = arith.addf %add3A_318, %bitcast3A_345 : vector<16xf32>
        %and3A_347 = arith.andi %bitcast3A_333, %broadcast_in_dim3A_3 : vector<16xi32>
        %bitcast3A_348 = vector.bitcast %and3A_347 : vector<16xi32> to vector<16xf32>
        %add3A_349 = arith.addf %add3A_321, %bitcast3A_348 : vector<16xf32>
        %add3A_350 = arith.constant 3 : i32
        %add3A_351 = arith.addi %mul3A_269, %add3A_350 : i32
        %get3A_352 = arith.index_cast %rem3A_221 : i32 to index
        %get3A_353 = arith.index_cast %add3A_351 : i32 to index
        %get3A_354 = arith.constant 0 : index
        %get3A_355 = tpu.vector_load %arg6[%get3A_352, %get3A_353, %get3A_354] {strides = array<i32>} : memref<8x200x64xbf16, #tpu.memory_space<vmem>>, vector<32xbf16>,
        %bitcast3A_356 = vector.bitcast %get3A_355 : vector<32xbf16> to vector<16xi32>
        %get3A_357 = arith.index_cast %rem3A_221 : i32 to index
        %get3A_358 = arith.index_cast %add3A_351 : i32 to index
        %get3A_359 = arith.constant 32 : index
        %get3A_360 = tpu.vector_load %arg6[%get3A_357, %get3A_358, %get3A_359] {strides = array<i32>} : memref<8x200x64xbf16, #tpu.memory_space<vmem>>, vector<32xbf16>,
        %bitcast3A_361 = vector.bitcast %get3A_360 : vector<32xbf16> to vector<16xi32>
        %shift_left3A_362 = arith.constant 16 : i32
        %shift_left3A_363 = vector.broadcast %shift_left3A_362 : i32 to vector<16xi32>
        %shift_left3A_364 = arith.shli %bitcast3A_356, %shift_left3A_363 : vector<16xi32>
        %bitcast3A_365 = vector.bitcast %shift_left3A_364 : vector<16xi32> to vector<16xf32>
        %add3A_366 = arith.addf %add3A_338, %bitcast3A_365 : vector<16xf32>
        %and3A_367 = arith.andi %bitcast3A_356, %broadcast_in_dim3A_3 : vector<16xi32>
        %bitcast3A_368 = vector.bitcast %and3A_367 : vector<16xi32> to vector<16xf32>
        %add3A_369 = arith.addf %add3A_341, %bitcast3A_368 : vector<16xf32>
        %shift_left3A_370 = arith.constant 16 : i32
        %shift_left3A_371 = vector.broadcast %shift_left3A_370 : i32 to vector<16xi32>
        %shift_left3A_372 = arith.shli %bitcast3A_361, %shift_left3A_371 : vector<16xi32>
        %bitcast3A_373 = vector.bitcast %shift_left3A_372 : vector<16xi32> to vector<16xf32>
        %add3A_374 = arith.addf %add3A_346, %bitcast3A_373 : vector<16xf32>
        %and3A_375 = arith.andi %bitcast3A_361, %broadcast_in_dim3A_3 : vector<16xi32>
        %bitcast3A_376 = vector.bitcast %and3A_375 : vector<16xi32> to vector<16xf32>
        %add3A_377 = arith.addf %add3A_349, %bitcast3A_376 : vector<16xf32>
        %add3A_378 = arith.constant 4 : i32
        %add3A_379 = arith.addi %mul3A_269, %add3A_378 : i32
        %get3A_380 = arith.index_cast %rem3A_221 : i32 to index
        %get3A_381 = arith.index_cast %add3A_379 : i32 to index
        %get3A_382 = arith.constant 0 : index
        %get3A_383 = tpu.vector_load %arg6[%get3A_380, %get3A_381, %get3A_382] {strides = array<i32>} : memref<8x200x64xbf16, #tpu.memory_space<vmem>>, vector<32xbf16>,
        %bitcast3A_384 = vector.bitcast %get3A_383 : vector<32xbf16> to vector<16xi32>
        %get3A_385 = arith.index_cast %rem3A_221 : i32 to index
        %get3A_386 = arith.index_cast %add3A_379 : i32 to index
        %get3A_387 = arith.constant 32 : index
        %get3A_388 = tpu.vector_load %arg6[%get3A_385, %get3A_386, %get3A_387] {strides = array<i32>} : memref<8x200x64xbf16, #tpu.memory_space<vmem>>, vector<32xbf16>,
        %bitcast3A_389 = vector.bitcast %get3A_388 : vector<32xbf16> to vector<16xi32>
        %shift_left3A_390 = arith.constant 16 : i32
        %shift_left3A_391 = vector.broadcast %shift_left3A_390 : i32 to vector<16xi32>
        %shift_left3A_392 = arith.shli %bitcast3A_384, %shift_left3A_391 : vector<16xi32>
        %bitcast3A_393 = vector.bitcast %shift_left3A_392 : vector<16xi32> to vector<16xf32>
        %add3A_394 = arith.addf %add3A_366, %bitcast3A_393 : vector<16xf32>
        %and3A_395 = arith.andi %bitcast3A_384, %broadcast_in_dim3A_3 : vector<16xi32>
        %bitcast3A_396 = vector.bitcast %and3A_395 : vector<16xi32> to vector<16xf32>
        %add3A_397 = arith.addf %add3A_369, %bitcast3A_396 : vector<16xf32>
        %shift_left3A_398 = arith.constant 16 : i32
        %shift_left3A_399 = vector.broadcast %shift_left3A_398 : i32 to vector<16xi32>
        %shift_left3A_400 = arith.shli %bitcast3A_389, %shift_left3A_399 : vector<16xi32>
        %bitcast3A_401 = vector.bitcast %shift_left3A_400 : vector<16xi32> to vector<16xf32>
        %add3A_402 = arith.addf %add3A_374, %bitcast3A_401 : vector<16xf32>
        %and3A_403 = arith.andi %bitcast3A_389, %broadcast_in_dim3A_3 : vector<16xi32>
        %bitcast3A_404 = vector.bitcast %and3A_403 : vector<16xi32> to vector<16xf32>
        %add3A_405 = arith.addf %add3A_377, %bitcast3A_404 : vector<16xf32>
        %add3A_406 = arith.constant 5 : i32
        %add3A_407 = arith.addi %mul3A_269, %add3A_406 : i32
        %get3A_408 = arith.index_cast %rem3A_221 : i32 to index
        %get3A_409 = arith.index_cast %add3A_407 : i32 to index
        %get3A_410 = arith.constant 0 : index
        %get3A_411 = tpu.vector_load %arg6[%get3A_408, %get3A_409, %get3A_410] {strides = array<i32>} : memref<8x200x64xbf16, #tpu.memory_space<vmem>>, vector<32xbf16>,
        %bitcast3A_412 = vector.bitcast %get3A_411 : vector<32xbf16> to vector<16xi32>
        %get3A_413 = arith.index_cast %rem3A_221 : i32 to index
        %get3A_414 = arith.index_cast %add3A_407 : i32 to index
        %get3A_415 = arith.constant 32 : index
        %get3A_416 = tpu.vector_load %arg6[%get3A_413, %get3A_414, %get3A_415] {strides = array<i32>} : memref<8x200x64xbf16, #tpu.memory_space<vmem>>, vector<32xbf16>,
        %bitcast3A_417 = vector.bitcast %get3A_416 : vector<32xbf16> to vector<16xi32>
        %shift_left3A_418 = arith.constant 16 : i32
        %shift_left3A_419 = vector.broadcast %shift_left3A_418 : i32 to vector<16xi32>
        %shift_left3A_420 = arith.shli %bitcast3A_412, %shift_left3A_419 : vector<16xi32>
        %bitcast3A_421 = vector.bitcast %shift_left3A_420 : vector<16xi32> to vector<16xf32>
        %add3A_422 = arith.addf %add3A_394, %bitcast3A_421 : vector<16xf32>
        %and3A_423 = arith.andi %bitcast3A_412, %broadcast_in_dim3A_3 : vector<16xi32>
        %bitcast3A_424 = vector.bitcast %and3A_423 : vector<16xi32> to vector<16xf32>
        %add3A_425 = arith.addf %add3A_397, %bitcast3A_424 : vector<16xf32>
        %shift_left3A_426 = arith.constant 16 : i32
        %shift_left3A_427 = vector.broadcast %shift_left3A_426 : i32 to vector<16xi32>
        %shift_left3A_428 = arith.shli %bitcast3A_417, %shift_left3A_427 : vector<16xi32>
        %bitcast3A_429 = vector.bitcast %shift_left3A_428 : vector<16xi32> to vector<16xf32>
        %add3A_430 = arith.addf %add3A_402, %bitcast3A_429 : vector<16xf32>
        %and3A_431 = arith.andi %bitcast3A_417, %broadcast_in_dim3A_3 : vector<16xi32>
        %bitcast3A_432 = vector.bitcast %and3A_431 : vector<16xi32> to vector<16xf32>
        %add3A_433 = arith.addf %add3A_405, %bitcast3A_432 : vector<16xf32>
        %add3A_434 = arith.constant 6 : i32
        %add3A_435 = arith.addi %mul3A_269, %add3A_434 : i32
        %get3A_436 = arith.index_cast %rem3A_221 : i32 to index
        %get3A_437 = arith.index_cast %add3A_435 : i32 to index
        %get3A_438 = arith.constant 0 : index
        %get3A_439 = tpu.vector_load %arg6[%get3A_436, %get3A_437, %get3A_438] {strides = array<i32>} : memref<8x200x64xbf16, #tpu.memory_space<vmem>>, vector<32xbf16>,
        %bitcast3A_440 = vector.bitcast %get3A_439 : vector<32xbf16> to vector<16xi32>
        %get3A_441 = arith.index_cast %rem3A_221 : i32 to index
        %get3A_442 = arith.index_cast %add3A_435 : i32 to index
        %get3A_443 = arith.constant 32 : index
        %get3A_444 = tpu.vector_load %arg6[%get3A_441, %get3A_442, %get3A_443] {strides = array<i32>} : memref<8x200x64xbf16, #tpu.memory_space<vmem>>, vector<32xbf16>,
        %bitcast3A_445 = vector.bitcast %get3A_444 : vector<32xbf16> to vector<16xi32>
        %shift_left3A_446 = arith.constant 16 : i32
        %shift_left3A_447 = vector.broadcast %shift_left3A_446 : i32 to vector<16xi32>
        %shift_left3A_448 = arith.shli %bitcast3A_440, %shift_left3A_447 : vector<16xi32>
        %bitcast3A_449 = vector.bitcast %shift_left3A_448 : vector<16xi32> to vector<16xf32>
        %add3A_450 = arith.addf %add3A_422, %bitcast3A_449 : vector<16xf32>
        %and3A_451 = arith.andi %bitcast3A_440, %broadcast_in_dim3A_3 : vector<16xi32>
        %bitcast3A_452 = vector.bitcast %and3A_451 : vector<16xi32> to vector<16xf32>
        %add3A_453 = arith.addf %add3A_425, %bitcast3A_452 : vector<16xf32>
        %shift_left3A_454 = arith.constant 16 : i32
        %shift_left3A_455 = vector.broadcast %shift_left3A_454 : i32 to vector<16xi32>
        %shift_left3A_456 = arith.shli %bitcast3A_445, %shift_left3A_455 : vector<16xi32>
        %bitcast3A_457 = vector.bitcast %shift_left3A_456 : vector<16xi32> to vector<16xf32>
        %add3A_458 = arith.addf %add3A_430, %bitcast3A_457 : vector<16xf32>
        %and3A_459 = arith.andi %bitcast3A_445, %broadcast_in_dim3A_3 : vector<16xi32>
        %bitcast3A_460 = vector.bitcast %and3A_459 : vector<16xi32> to vector<16xf32>
        %add3A_461 = arith.addf %add3A_433, %bitcast3A_460 : vector<16xf32>
        %add3A_462 = arith.constant 7 : i32
        %add3A_463 = arith.addi %mul3A_269, %add3A_462 : i32
        %get3A_464 = arith.index_cast %rem3A_221 : i32 to index
        %get3A_465 = arith.index_cast %add3A_463 : i32 to index
        %get3A_466 = arith.constant 0 : index
        %get3A_467 = tpu.vector_load %arg6[%get3A_464, %get3A_465, %get3A_466] {strides = array<i32>} : memref<8x200x64xbf16, #tpu.memory_space<vmem>>, vector<32xbf16>,
        %bitcast3A_468 = vector.bitcast %get3A_467 : vector<32xbf16> to vector<16xi32>
        %get3A_469 = arith.index_cast %rem3A_221 : i32 to index
        %get3A_470 = arith.index_cast %add3A_463 : i32 to index
        %get3A_471 = arith.constant 32 : index
        %get3A_472 = tpu.vector_load %arg6[%get3A_469, %get3A_470, %get3A_471] {strides = array<i32>} : memref<8x200x64xbf16, #tpu.memory_space<vmem>>, vector<32xbf16>,
        %bitcast3A_473 = vector.bitcast %get3A_472 : vector<32xbf16> to vector<16xi32>
        %shift_left3A_474 = arith.constant 16 : i32
        %shift_left3A_475 = vector.broadcast %shift_left3A_474 : i32 to vector<16xi32>
        %shift_left3A_476 = arith.shli %bitcast3A_468, %shift_left3A_475 : vector<16xi32>
        %bitcast3A_477 = vector.bitcast %shift_left3A_476 : vector<16xi32> to vector<16xf32>
        %add3A_478 = arith.addf %add3A_450, %bitcast3A_477 : vector<16xf32>
        %and3A_479 = arith.andi %bitcast3A_468, %broadcast_in_dim3A_3 : vector<16xi32>
        %bitcast3A_480 = vector.bitcast %and3A_479 : vector<16xi32> to vector<16xf32>
        %add3A_481 = arith.addf %add3A_453, %bitcast3A_480 : vector<16xf32>
        %shift_left3A_482 = arith.constant 16 : i32
        %shift_left3A_483 = vector.broadcast %shift_left3A_482 : i32 to vector<16xi32>
        %shift_left3A_484 = arith.shli %bitcast3A_473, %shift_left3A_483 : vector<16xi32>
        %bitcast3A_485 = vector.bitcast %shift_left3A_484 : vector<16xi32> to vector<16xf32>
        %add3A_486 = arith.addf %add3A_458, %bitcast3A_485 : vector<16xf32>
        %and3A_487 = arith.andi %bitcast3A_473, %broadcast_in_dim3A_3 : vector<16xi32>
        %bitcast3A_488 = vector.bitcast %and3A_487 : vector<16xi32> to vector<16xf32>
        %add3A_489 = arith.addf %add3A_461, %bitcast3A_488 : vector<16xf32>
        scf.yield %add3A_478, %add3A_481, %add3A_486, %add3A_489 : vector<16xf32>, vector<16xf32>, vector<16xf32>, vector<16xf32>
      }
      %scan3A_246 = arith.constant 25 : i32
      %mul3A_247 = arith.mulf %scan3A_245#0, %broadcast_in_dim3A_1 : vector<16xf32>
      %swap3A = arith.index_cast %scan3A_219 : i32 to index
      %swap3A_248 = arith.constant 0 : index
      %swap3A_249 = tpu.vector_load %arg7[%swap3A, %swap3A_248] {strides = array<i32>} : memref<128x64xf32, #tpu.memory_space<vmem>>, vector<16xf32>,
      tpu.vector_store %arg7[%swap3A, %swap3A_248], %mul3A_247 {strides = array<i32>} : memref<128x64xf32, #tpu.memory_space<vmem>>, vector<16xf32>,
      %mul3A_250 = arith.mulf %scan3A_245#1, %broadcast_in_dim3A_1 : vector<16xf32>
      %swap3A_251 = arith.index_cast %scan3A_219 : i32 to index
      %swap3A_252 = arith.constant 16 : index
      %swap3A_253 = tpu.vector_load %arg7[%swap3A_251, %swap3A_252] {strides = array<i32>} : memref<128x64xf32, #tpu.memory_space<vmem>>, vector<16xf32>,
      tpu.vector_store %arg7[%swap3A_251, %swap3A_252], %mul3A_250 {strides = array<i32>} : memref<128x64xf32, #tpu.memory_space<vmem>>, vector<16xf32>,
      %mul3A_254 = arith.mulf %scan3A_245#2, %broadcast_in_dim3A_1 : vector<16xf32>
      %swap3A_255 = arith.index_cast %scan3A_219 : i32 to index
      %swap3A_256 = arith.constant 32 : index
      %swap3A_257 = tpu.vector_load %arg7[%swap3A_255, %swap3A_256] {strides = array<i32>} : memref<128x64xf32, #tpu.memory_space<vmem>>, vector<16xf32>,
      tpu.vector_store %arg7[%swap3A_255, %swap3A_256], %mul3A_254 {strides = array<i32>} : memref<128x64xf32, #tpu.memory_space<vmem>>, vector<16xf32>,
      %mul3A_258 = arith.mulf %scan3A_245#3, %broadcast_in_dim3A_1 : vector<16xf32>
      %swap3A_259 = arith.index_cast %scan3A_219 : i32 to index
      %swap3A_260 = arith.constant 48 : index
      %swap3A_261 = tpu.vector_load %arg7[%swap3A_259, %swap3A_260] {strides = array<i32>} : memref<128x64xf32, #tpu.memory_space<vmem>>, vector<16xf32>,
      tpu.vector_store %arg7[%swap3A_259, %swap3A_260], %mul3A_258 {strides = array<i32>} : memref<128x64xf32, #tpu.memory_space<vmem>>, vector<16xf32>,
      %scan3A_262 = arith.constant 0 : i32
      scf.yield %scan3A_262 : i32
    }
    %scan3A_218 = arith.constant 128 : i32
    "tpu.region"() ({
      %run_scoped3A = tpu.sem_alloc : memref<!tpu.dma_semaphore, #tpu.memory_space<semaphore_mem>>
      %dma_start3A_219 = arith.constant 0 : i32
      %dma_start3A_220 = arith.constant 0 : i32
      %dma_start3A_221 = tpu.memref_slice %arg4[%add3A, %dma_start3A_219, %dma_start3A_220] : memref<32x128x64xf32, #tpu.memory_space<hbm>> -> memref<1x128x64xf32, #tpu.memory_space<hbm>>
      %dma_start3A_222 = tpu.memref_squeeze %dma_start3A_221 : memref<1x128x64xf32, #tpu.memory_space<hbm>> -> memref<128x64xf32, #tpu.memory_space<hbm>>
      %dma_start3A_223 = arith.constant 0 : i32
      %dma_start3A_224 = arith.constant 0 : i32
      %dma_start3A_225 = tpu.memref_slice %arg4[%add3A, %dma_start3A_223, %dma_start3A_224] : memref<32x128x64xf32, #tpu.memory_space<hbm>> -> memref<1x128x64xf32, #tpu.memory_space<hbm>>
      %dma_start3A_226 = tpu.memref_squeeze %dma_start3A_225 : memref<1x128x64xf32, #tpu.memory_space<hbm>> -> memref<128x64xf32, #tpu.memory_space<hbm>>
      tpu.enqueue_dma source(%arg7 : memref<128x64xf32, #tpu.memory_space<vmem>>) target(%dma_start3A_226 : memref<128x64xf32, #tpu.memory_space<hbm>>) target_semaphore(%run_scoped3A : memref<!tpu.dma_semaphore, #tpu.memory_space<semaphore_mem>>)
      %dma_wait3A = arith.constant 0 : i32
      %dma_wait3A_227 = arith.constant 0 : i32
      %dma_wait3A_228 = tpu.memref_slice %arg4[%add3A, %dma_wait3A, %dma_wait3A_227] : memref<32x128x64xf32, #tpu.memory_space<hbm>> -> memref<1x128x64xf32, #tpu.memory_space<hbm>>
      %dma_wait3A_229 = tpu.memref_squeeze %dma_wait3A_228 : memref<1x128x64xf32, #tpu.memory_space<hbm>> -> memref<128x64xf32, #tpu.memory_space<hbm>>
      %dma_wait3A_230 = arith.constant 0 : i32
      %dma_wait3A_231 = arith.constant 0 : i32
      %dma_wait3A_232 = tpu.memref_slice %arg4[%add3A, %dma_wait3A_230, %dma_wait3A_231] : memref<32x128x64xf32, #tpu.memory_space<hbm>> -> memref<1x128x64xf32, #tpu.memory_space<hbm>>
      %dma_wait3A_233 = tpu.memref_squeeze %dma_wait3A_232 : memref<1x128x64xf32, #tpu.memory_space<hbm>> -> memref<128x64xf32, #tpu.memory_space<hbm>>
      tpu.wait_dma2 semaphore(%run_scoped3A : memref<!tpu.dma_semaphore, #tpu.memory_space<semaphore_mem>>) src(%arg7 : memref<128x64xf32, #tpu.memory_space<vmem>>) dst(%dma_wait3A_233 : memref<128x64xf32, #tpu.memory_space<hbm>>)
      tpu.yield
    }) : () -> ()
    return
  }
}

module attributes {stable_mosaic.version = 14 : i64} {
  func.func @_mlp_body(%arg0: i32, %arg1: memref<512x64xf32, #tpu.memory_space<vmem>>, %arg2: memref<64x768xbf16, #tpu.memory_space<vmem>>, %arg3: memref<1x768xf32, #tpu.memory_space<vmem>>, %arg4: memref<1x768xf32, #tpu.memory_space<vmem>>, %arg5: memref<1x1xf32, #tpu.memory_space<vmem>>, %arg6: memref<1x512xf32, #tpu.memory_space<vmem>>) attributes {dimension_semantics = [#tpu.dimension_semantics<arbitrary>], iteration_bounds = array<i64: 8>, scalar_prefetch = 0 : i64, scratch_operands = 0 : i64, tpu.core_type = #tpu.core_type<tc>, window_params = [{transform_indices = @transform_0, window_bounds = array<i64: 512, 64>}, {pipeline_mode = #tpu.pipeline_mode<synchronous>, transform_indices = @transform_1, window_bounds = array<i64: 64, 768>}, {pipeline_mode = #tpu.pipeline_mode<synchronous>, transform_indices = @transform_2, window_bounds = array<i64: 1, 768>}, {pipeline_mode = #tpu.pipeline_mode<synchronous>, transform_indices = @transform_3, window_bounds = array<i64: 1, 768>}, {pipeline_mode = #tpu.pipeline_mode<synchronous>, transform_indices = @transform_4, window_bounds = array<i64: 1, 1>}, {transform_indices = @transform_5, window_bounds = array<i64: 1, 512>}]} {
    %get3A = arith.constant 0 : index
    %get3A_0 = arith.constant 0 : index
    %get3A_1 = vector.load %arg1[%get3A, %get3A_0] : memref<512x64xf32, #tpu.memory_space<vmem>>, vector<512x64xf32>
    %convert_element_type3A = arith.truncf %get3A_1 : vector<512x64xf32> to vector<512x64xbf16>
    %get3A_2 = arith.constant 0 : index
    %get3A_3 = arith.constant 0 : index
    %get3A_4 = vector.load %arg2[%get3A_2, %get3A_3] : memref<64x768xbf16, #tpu.memory_space<vmem>>, vector<64x768xbf16>
    %dot_general3A = arith.constant dense<0.000000e+00> : vector<512x768xf32>
    %dot_general3A_5 = tpu.matmul %convert_element_type3A, %get3A_4, %dot_general3A {dimension_numbers = #tpu.dot_dimension_numbers<[1], [0], [0], [1], [0, 0, 1, 1], [], []>, transpose_lhs_hint = false} : vector<512x64xbf16>, vector<64x768xbf16>, vector<512x768xf32> -> vector<512x768xf32>
    %get3A_6 = arith.constant 0 : index
    %get3A_7 = arith.constant 0 : index
    %get3A_8 = vector.load %arg3[%get3A_6, %get3A_7] : memref<1x768xf32, #tpu.memory_space<vmem>>, vector<1x768xf32>
    %add3A = vector.broadcast %get3A_8 : vector<1x768xf32> to vector<512x768xf32>
    %add3A_9 = arith.addf %dot_general3A_5, %add3A : vector<512x768xf32>
    %max3A = arith.constant 0.000000e+00 : f32
    %max3A_10 = vector.broadcast %max3A : f32 to vector<512x768xf32>
    %max3A_11 = arith.maximumf %add3A_9, %max3A_10 : vector<512x768xf32>
    %get3A_12 = arith.constant 0 : index
    %get3A_13 = arith.constant 0 : index
    %get3A_14 = vector.load %arg4[%get3A_12, %get3A_13] : memref<1x768xf32, #tpu.memory_space<vmem>>, vector<1x768xf32>
    %mul3A = vector.broadcast %get3A_14 : vector<1x768xf32> to vector<512x768xf32>
    %mul3A_15 = arith.mulf %max3A_11, %mul3A : vector<512x768xf32>
    %reduce_sum3A = arith.constant dense<0.000000e+00> : vector<512xf32>
    %reduce_sum3A_16 = vector.multi_reduction <add>, %mul3A_15, %reduce_sum3A [1] : vector<512x768xf32> to vector<512xf32>
    %get3A_17 = arith.constant 0 : index
    %get3A_18 = arith.constant 0 : index
    %get3A_19 = vector.load %arg5[%get3A_17, %get3A_18] : memref<1x1xf32, #tpu.memory_space<vmem>>, vector<1x1xf32>
    %get3A_20 = vector.extract %get3A_19[0, 0] : f32 from vector<1x1xf32>
    %add3A_21 = vector.broadcast %get3A_20 : f32 to vector<512xf32>
    %add3A_22 = arith.addf %reduce_sum3A_16, %add3A_21 : vector<512xf32>
    %broadcast_in_dim3A = vector.shape_cast %add3A_22 : vector<512xf32> to vector<1x512xf32>
    %swap3A = arith.constant 0 : index
    %swap3A_23 = arith.constant 0 : index
    %swap3A_24 = vector.load %arg6[%swap3A, %swap3A_23] : memref<1x512xf32, #tpu.memory_space<vmem>>, vector<1x512xf32>
    tpu.vector_store %arg6[%swap3A, %swap3A_23], %broadcast_in_dim3A {strides = array<i32>} : memref<1x512xf32, #tpu.memory_space<vmem>>, vector<1x512xf32>,
    return
  }
  func.func @transform_0(%arg0: i32) -> (i32, i32) {
    %c0_i32 = arith.constant 0 : i32
    %c0_i32_0 = arith.constant 0 : i32
    return %arg0, %c0_i32 : i32, i32
  }
  func.func @transform_1(%arg0: i32) -> (i32, i32) {
    %c0_i32 = arith.constant 0 : i32
    %c0_i32_0 = arith.constant 0 : i32
    %c0_i32_1 = arith.constant 0 : i32
    return %c0_i32, %c0_i32_0 : i32, i32
  }
  func.func @transform_2(%arg0: i32) -> (i32, i32) {
    %c0_i32 = arith.constant 0 : i32
    %c0_i32_0 = arith.constant 0 : i32
    %c0_i32_1 = arith.constant 0 : i32
    return %c0_i32, %c0_i32_0 : i32, i32
  }
  func.func @transform_3(%arg0: i32) -> (i32, i32) {
    %c0_i32 = arith.constant 0 : i32
    %c0_i32_0 = arith.constant 0 : i32
    %c0_i32_1 = arith.constant 0 : i32
    return %c0_i32, %c0_i32_0 : i32, i32
  }
  func.func @transform_4(%arg0: i32) -> (i32, i32) {
    %c0_i32 = arith.constant 0 : i32
    %c0_i32_0 = arith.constant 0 : i32
    %c0_i32_1 = arith.constant 0 : i32
    return %c0_i32, %c0_i32_0 : i32, i32
  }
  func.func @transform_5(%arg0: i32) -> (i32, i32) {
    %c0_i32 = arith.constant 0 : i32
    %c0_i32_0 = arith.constant 0 : i32
    return %c0_i32, %arg0 : i32, i32
  }
}

</mosaic_0001>

<sc_bundles>
// kernel: kernel.4.cloned.1.call-start
scs
__scs_entry_jumppad:
0x0: {  	(pc) =	sbr.rel $0x88, $3  }
0x1: {  	(tag) =	ssettag $0x0;
	lr =	simm.s32 $0x1  }
0x2: {  	[smem:$0x3F9B] =	sst lr;
	_ =	strace $0xD0000000  }
0x3: {  	_ = 	snop  }
0x4: {  	_ = 	snop  }
0x5: {  	_ = 	snop  }
0x6: {  	_ = 	snop  }
0x7: {  	_ = 	snop  }
__scs_overlays_trampoline_lowered:
0x8: {  	[smem:$0x3FAA] =	sst s0  }
0x9: {  	[smem:$0x3FAB] =	sst s1  }
0xa: {  	[smem:$0x3FAC] =	sst s2  }
0xb: {  	[smem:$0x3FAD] =	sst s3  }
0xc: {  	[smem:$0x3FAE] =	sst s4  }
0xd: {  	[smem:$0x3FAF] =	sst s5  }
0xe: {  	[smem:$0x3FB0] =	sst s6  }
0xf: {  	[smem:$0x3FB1] =	sst s7  }
0x10: {  	[smem:$0x3FB2] =	sst s8  }
0x11: {  	[smem:$0x3FB3] =	sst s9;
	s0 =	simm.s32 @!p0 $0x0  }
0x12: {  	s1 =	sld [smem:$0x3F99];
	s0 =	simm.s32 @p0 $0x1  }
0x13: {  	[smem:$0x3FB4] =	sst s0;
	s0 =	simm.s32 @!p1 $0x0  }
0x14: {  	s2 =	sld [smem:$0x3F98];
	s0 =	simm.s32 @p1 $0x1  }
0x15: {  	[smem:$0x3FB5] =	sst s0;
	s0 =	simm.s32 @!p2 $0x0  }
0x16: {  	s3 =	sld [smem:$0x3FDB];
	s0 =	simm.s32 @p2 $0x1  }
0x17: {  	s4 =	simm.s32 $0x1BF5;
	[smem:$0x3FB7] =	sst s0  }
0x18: {  	s0 =	sld [smem:$0x3F9A];
	_ =	swait.ge [sflag:s4], $0x0  }
0x19: {  	s7 =	sld [smem:$0x3F9B]  }
0x1a: {  	s8 =	sadd.s32 $0xFFFFE003, lr  }
0x1b: {  	s9 =	sadd.s32 $0xFFFFFEF7, lr;
	s5 =	simm.s32 $0xFFFFFFFF;
	p2 =	slt.u32 s8, $0xFFFFF086  }
0x1c: {  	p1 =	slt.u32 s9, $0xF7A;
	s5 =	simm.s32 @!p2 $0x0  }
0x1d: {  	s5 =	simm.s32 @p1 $0x1;
	p0 =	seq.s32 s7, s2  }
0x1e: {  	s7 =	smul.u32 @!p0 $0xF7A, s2;
	p2 =	seq.s32 @!p0 s5, $0x0  }
0x1f: {  	s9 =	smul.u32 $0xF7A, s1;
	s8 =	simm.s32 @!p0 $0x1BF5;
	p2 =	por !p2, p0  }
0x20: {  	[sflag:s8] =	ssyncset.s32 @!p0 $0xFFFFF086;
	s6 =	sadd.s32 @!p0 s3, s7;
	s7 =	simm.s32 @!p0 $0x108  }
0x21: {  	s3 =	sadd.s32 s3, s9;
	s6 =	sadd.s32 @!p0 $0x88, s6;
	s7 =	simm.s32 @p2 $0x1082  }
0x22: {  	[simem:s7], [sflag:s8] =	dma.local @!p0 [hbm:s6], $0xF7A  }
0x23: {  	s9 =	sor.u32 $0xD0000000, s2;
	s6 =	simm.s32 $0x108;
	_ =	swait.ge @!p0 [sflag:s8], $0x0  }
0x24: {  	s3 =	sadd.s32 $0x88, s3;
	s6 =	simm.s32 @!p1 $0x1082;
	[sflag:s4] =	ssyncset.s32 $0xFFFFF086  }
0x25: {  	[simem:s6], [sflag:s4] =	dma.local [hbm:s3], $0xF7A  }
0x26: {  	[smem:$0x3F9B] =	sst s1;
	(tag) =	ssettag s2;
	_ =	strace s9  }
0x27: {  	s1 =	sld [smem:$0x3FAB]  }
0x28: {  	s2 =	sld [smem:$0x3FAC]  }
0x29: {  	s4 =	sld [smem:$0x3FAE]  }
0x2a: {  	p0 =	seq.s32 s5, $0x0;
	s5 =	sld [smem:$0x3FAF]  }
0x2b: {  	s6 =	sld [smem:$0x3FB0]  }
0x2c: {  	s7 =	sld [smem:$0x3FB1]  }
0x2d: {  	s3 =	simm.s32 $0x108;
	s8 =	sld [smem:$0x3FB2]  }
0x2e: {  	s3 =	simm.s32 @!p0 $0x1082;
	s9 =	sld [smem:$0x3FB3]  }
0x2f: {  	lr =	sadd.s32 s0, s3;
	s0 =	sld [smem:$0x3FAA]  }
0x30: {  	s3 =	sld [smem:$0x3FAD]  }
0x31: {  	[smem:$0x3FB6] =	sst s10  }
0x32: {  	s10 =	sld [smem:$0x3FB4];
	_ =	sdelay $0x3  }
0x33: {  	p0 =	seq.s32 s10, $0x1;
	s10 =	sld [smem:$0x3FB6];
	_ =	sdelay $0x3  }
0x34: {  	[smem:$0x3FB6] =	sst s10  }
0x35: {  	s10 =	sld [smem:$0x3FB5];
	_ =	sdelay $0x3  }
0x36: {  	p1 =	seq.s32 s10, $0x1;
	s10 =	sld [smem:$0x3FB6];
	_ =	sdelay $0x3  }
0x37: {  	[smem:$0x3FB6] =	sst s10  }
0x38: {  	s10 =	sld [smem:$0x3FB7]  }
0x39: {  	_ = 	snop;
	(pc) =	sbr.ind lr, $3  }
0x3a: {  	_ = 	snop  }
0x3b: {  	_ = 	snop  }
0x3c: {  	p2 =	seq.s32 s10, $0x1;
	s10 =	sld [smem:$0x3FB6]  }
0x3d: {  	_ =	shalt  }
0x3e: {  	_ =	shalt  }
0x3f: {  	_ =	shalt  }
0x40: {  	_ =	shalt  }
0x41: {  	_ =	shalt  }
0x42: {  	_ =	shalt  }
0x43: {  	_ =	shalt  }
0x44: {  	_ =	shalt  }
0x45: {  	_ =	shalt  }
0x46: {  	_ =	shalt  }
0x47: {  	_ =	shalt  }
0x48: {  	_ =	shalt  }
0x49: {  	_ =	shalt  }
0x4a: {  	_ =	shalt  }
0x4b: {  	_ =	shalt  }
0x4c: {  	_ =	shalt  }
0x4d: {  	_ =	shalt  }
0x4e: {  	_ =	shalt  }
0x4f: {  	_ =	shalt  }
0x50: {  	_ =	shalt  }
0x51: {  	_ =	shalt  }
0x52: {  	_ =	shalt  }
0x53: {  	_ =	shalt  }
0x54: {  	_ =	shalt  }
0x55: {  	_ =	shalt  }
0x56: {  	_ =	shalt  }
0x57: {  	_ =	shalt  }
0x58: {  	_ =	shalt  }
0x59: {  	_ =	shalt  }
0x5a: {  	_ =	shalt  }
0x5b: {  	_ =	shalt  }
0x5c: {  	_ =	shalt  }
0x5d: {  	_ =	shalt  }
0x5e: {  	_ =	shalt  }
0x5f: {  	_ =	shalt  }
0x60: {  	_ =	shalt  }
0x61: {  	_ =	shalt  }
0x62: {  	_ =	shalt  }
0x63: {  	_ =	shalt  }
0x64: {  	_ =	shalt  }
0x65: {  	_ =	shalt  }
0x66: {  	_ =	shalt  }
0x67: {  	_ =	shalt  }
0x68: {  	_ =	shalt  }
0x69: {  	_ =	shalt  }
0x6a: {  	_ =	shalt  }
0x6b: {  	_ =	shalt  }
0x6c: {  	_ =	shalt  }
0x6d: {  	_ =	shalt  }
0x6e: {  	_ =	shalt  }
0x6f: {  	_ =	shalt  }
0x70: {  	_ =	shalt  }
0x71: {  	_ =	shalt  }
0x72: {  	_ =	shalt  }
0x73: {  	_ =	shalt  }
0x74: {  	_ =	shalt  }
0x75: {  	_ =	shalt  }
0x76: {  	_ =	shalt  }
0x77: {  	_ =	shalt  }
0x78: {  	_ =	shalt  }
0x79: {  	_ =	shalt  }
0x7a: {  	_ =	shalt  }
0x7b: {  	_ =	shalt  }
0x7c: {  	_ =	shalt  }
0x7d: {  	_ =	shalt  }
0x7e: {  	_ =	shalt  }
0x7f: {  	_ =	shalt  }
0x80: {  	_ =	shalt  }
0x81: {  	_ =	shalt  }
0x82: {  	_ =	shalt  }
0x83: {  	_ =	shalt  }
0x84: {  	_ =	shalt  }
0x85: {  	_ =	shalt  }
0x86: {  	_ =	shalt  }
0x87: {  	_ =	shalt  }
.Lfunc_end0:
.L_simem_size_0:
called_computation_lowered:
.L_overlay_start_0:
0x88: {  	s2 =	sld [smem:$0x3FD9]  }
0x89: {  	s3 =	sld [smem:$0x3FFE];
	_ =	sdelay $0x1  }
0x8a: {  	s1 =	srdreg.scid  }
0x8b: {  	s0 =	sand.u32 $0x1, s1  }
0x8c: {  	s16 =	sshll.u32 s0, $0xA;
	s2 =	sadd.s32 s3, s2  }
0x8d: {  	s2 =	sadd.s32 s2, s16  }
0x8e: {  	[smem:$0x3FC2] =	sst s2  }
0x8f: {  	_ = 	snop  }
0x90: {  	(tm) =	ssettm $0x1  }
0x91: {  	s17 =	sld [smem:$0x3FFB];
	_ =	sdelay $0x3  }
0x92: {  	_ =	strace s17  }
0x93: {  	s2 =	sld [smem:$0x3FFC];
	_ =	sdelay $0x3  }
0x94: {  	_ =	strace s2  }
0x95: {  	s2 =	sld [smem:$0x3FFD];
	_ =	sdelay $0x3  }
0x96: {  	_ =	strace s2  }
0x97: {  	_ =	strace $0x8FFFFFFF  }
0x98: {  	s18 =	sld [smem:$0x3FDB];
	_ =	sdelay $0x1  }
0x99: {  	s19 =	simm.s32 $_scs_section_size  }
0x9a: {  	s4 =	simm.s32 $_size__tile_overlayer_lowered;
	s5 =	simm.s32 $_tile_overlayer_lowered  }
0x9b: {  	s22 =	simm.s32 $0x1BFF;
	s21 =	sshll.u32 s5, $0x1;
	s2 =	sadd.s32 s19, s18  }
0x9c: {  	s6 =	simm.s32 $0x0;
	s20 =	sshll.u32 s4, $0x1;
	s4 =	sadd.s32 s21, s2  }
0x9d: {  	[timem:s6], [sflag:s22] =	dma.local [hbm:s4], s20  }
0x9e: {  	_ =	swait.ge [sflag:s22], s20  }
0x9f: {  	s3 =	ssub.s32 $0x0, s20;
	[sflag:s22] =	ssyncset.done $0x0  }
0xa0: {  	[sflag:s22] =	ssyncadd.s32 s3;
	_ =	sdelay $0x1  }
0xa1: {  	s23 =	simm.s32 $0x1B8B  }
0xa2: {  	_ =	swait.ge [sflag:s23], $0x1  }
0xa3: {  	[sflag:s23] =	ssyncset.done $0x0  }
0xa4: {  	s25 =	simm.s32 $0x1B8E;
	s24 =	sld [smem:$0x3FFE];
	[sflag:s23] =	ssyncadd.s32 $0xFFFFFFFF  }
0xa5: {  	s26 =	simm.s32 $execute0_lowered;
	[smem:$0x3FD2] =	sst s25  }
0xa6: {  	s4 =	sshll.u32 s26, $0x1;
	_ =	strace $0x80000046;
	[dreg:$0x1] =	wrdreg $0xFFFFFFFF  }
0xa7: {  	s28 =	simm.s32 $_size_execute0_lowered;
	s2 =	sadd.s32 s2, s4;
	[dreg:$0x0] =	wrdreg $0x0  }
0xa8: {  	s4 =	sshll.u32 s28, $0x1;
	[dreg:$0x2] =	wrdreg s2  }
0xa9: {  	[dreg:$0x3] =	wrdreg s4  }
0xaa: {  	[dreg:$0x4] =	wrdreg $0xC0  }
0xab: {  	_ =	task [dreg:s6], $0x5FFFF  }
0xac: {  	[dreg:$0x1] =	wrdreg $0xFFFFFFFF  }
0xad: {  	[dreg:$0x0] =	wrdreg $0x60  }
0xae: {  	[dreg:$0x2] =	wrdreg s24  }
0xaf: {  	[dreg:$0x3] =	wrdreg $0x9  }
0xb0: {  	_ =	task.clear_ibuf [dreg:s6], $0x4FFFF;
	_ =	strace $0x90000046  }
0xb1: {  	s29 =	simm.s32 $0x9;
	_ =	strace $0x80000048  }
0xb2: {  	_ =	swait.ge [sflag:s29], $0x1  }
0xb3: {  	[sflag:s29] =	ssyncadd.s32 $0xFFFFFFFF  }
0xb4: {  	_ =	strace $0x90000048  }
0xb5: {  	_ =	sfence  }
0xb6: {  	s30 =	sld [smem:$0x0];
	_ =	sdelay $0x2  }
0xb7: {  	s31 =	sshll.u32 s1, $0xD;
	s1 =	sshrl.u32 s1, $0x2  }
0xb8: {  	s3 =	sand.u32 $0x4000, s31;
	s1 =	sadd.s32 s1, s30  }
0xb9: {  	s0 =	sor.u32 s3, s0;
	s1 =	sshll.u32 s1, $0x11  }
0xba: {  	s0 =	sor.u32 s1, s0  }
0xbb: {  	s0 =	sadd.s32 $0x8F2B, s0  }
0xbc: {  	[sflag:s0] =	ssyncadd.remote.s32 $0x1  }
0xbd: {  	_ =	sfence.sel $0xFFFF  }
0xbe: {  	[dreg:$0x0] =	wrdreg $0xFFFFFFFF;
	(pc) =	sbr.abs _section_cstart, $3  }
0xbf: {  	[dreg:$0x1] =	wrdreg $0xFFFFFFFF  }
0xc0: {  	_ =	task.clear_ibuf [dreg:s6], $0x2FFFF;
	_ =	strace $0x9FFFFFFF  }
0xc1: {  	(tm) =	ssettm $0x7FFFFFFF  }
tec
execute0_lowered:
.L_overlay_start_1:
0x0: {  	(tag) =	ssettag $0x1  }
0x1: {  	s0 =	srdreg.scid  }
0x2: {  	s1 =	stileid.u32;
	s4 =	rddreg [dreg:$0x0];
	s2 =	simm.s32 $0x0  }
0x3: {  	s7 =	simm.s32 $0x9;
	s8 =	simm.s32 $0x68;
	s10 =	simm.s32 $0x60  }
0x4: {  	s24 =	simm.s32 $0x320;
	s25 =	simm.s32 $0xC800;
	s26 =	simm.s32 $0x388  }
0x5: {  	s28 =	simm.s32 $0xD500;
	s29 =	simm.s32 $0x3E8;
	s30 =	simm.s32 $0xE100  }
0x6: {  	s31 =	simm.s32 $0x450;
	s9 =	simm.s32 $0xFA00;
	s11 =	simm.s32 $0x518  }
0x7: {  	s12 =	simm.s32 $0x10700;
	s0 =	sand.u32 $0x1, s0;
	s1 =	sshll.u32 s1, $0x1  }
0x8: {  	s13 =	simm.s32 $0x12C00;
	s14 =	simm.s32 $0x0;
	s1 =	sor.u32 s0, s1  }
0x9: {  	[smem:$0x7FF] =	sst s2;
	s0 =	ssub.s32 $0x2, s0;
	s3 =	smul.u32 $0xC80, s1  }
0xa: {  	_ =	strace $0x80000047;
	s1 =	sshll.u32 s1, $0xA;
	s6 =	sshrl.u32 s0, $0x1  }
0xb: {  	s1 =	sadd.s32 s1, s4;
	s0 =	ssub.s32 s0, s6;
	s5 =	sadd.s32 s3, s4  }
0xc: {  	s3 =	sadd.s32 $0xE00, s4;
	s6 =	smax.u32 s0, $0x1;
	s0 =	simm.s32 $0x4B0  }
0xd: {  	s4 =	sadd.s32 $0x62A00, s5;
	s5 =	sadd.s32 $0x7BA00, s1;
	s1 =	simm.s32 $0xEE00  }
.LBB2_1:
0xe: {  	[tilespmem:s2], [sflag:$0x9] =	stream.linear.gather [hbm4b:s4+s2], $0x6400, $0x38;
	[tilespmem:$0x14C00] =	vst v63  }
0xf: {  	_ =	swait.ge [sflag:s7], $0x6400  }
0x10: {  	[sflag:s7] =	ssyncset.done $0x0  }
0x11: {  	s15 =	simm.s32 $0x6400;
	[sflag:s7] =	ssyncadd.s32 $0xFFFF9C00  }
0x12: {  	[tilespmem:s15], [sflag:$0x1] =	stream.indirect.gather [hbm4b:s3+s8], $0x20, s2, s8, $0xb8;
	[tilespmem:$0x14C00] =	vst v63  }
0x13: {  	s20 =	simm.s32 $0x7100  }
0x14: {  	[tilespmem:s20], [sflag:$0x1] =	stream.indirect.gather [hbm4b:s3+s10], $0x20, s8, s10, $0xb8;
	[tilespmem:$0x14C00] =	vst v63  }
0x15: {  	s21 =	simm.s32 $0xC8;
	s16 =	simm.s32 $0x7D00  }
0x16: {  	[tilespmem:s16], [sflag:$0x2] =	stream.indirect.gather [hbm4b:s3+s8], $0x20, s21, s8, $0xb8;
	[tilespmem:$0x14C00] =	vst v63  }
0x17: {  	s22 =	simm.s32 $0x130;
	s23 =	simm.s32 $0x8A00  }
0x18: {  	[tilespmem:s23], [sflag:$0x2] =	stream.indirect.gather [hbm4b:s3+s10], $0x20, s22, s10, $0xb8;
	[tilespmem:$0x14C00] =	vst v63  }
0x19: {  	s17 =	simm.s32 $0x9600;
	s16 =	simm.s32 $0x190  }
0x1a: {  	[tilespmem:s17], [sflag:$0x3] =	stream.indirect.gather [hbm4b:s3+s8], $0x20, s16, s8, $0xb8;
	[tilespmem:$0x14C00] =	vst v63  }
0x1b: {  	s18 =	simm.s32 $0x1F8;
	s19 =	simm.s32 $0xA300  }
0x1c: {  	[tilespmem:s19], [sflag:$0x3] =	stream.indirect.gather [hbm4b:s3+s10], $0x20, s18, s10, $0xb8;
	[tilespmem:$0x14C00] =	vst v63  }
0x1d: {  	s20 =	simm.s32 $0x258;
	s21 =	simm.s32 $0xAF00  }
0x1e: {  	[tilespmem:s21], [sflag:$0x4] =	stream.indirect.gather [hbm4b:s3+s8], $0x20, s20, s8, $0xb8;
	[tilespmem:$0x14C00] =	vst v63  }
0x1f: {  	s22 =	simm.s32 $0x2C0;
	s23 =	simm.s32 $0xBC00  }
0x20: {  	[tilespmem:s23], [sflag:$0x4] =	stream.indirect.gather [hbm4b:s3+s10], $0x20, s22, s10, $0xb8;
	[tilespmem:$0x14C00] =	vst v63  }
0x21: {  	_ = 	snop  }
0x22: {  	[tilespmem:s25], [sflag:$0x5] =	stream.indirect.gather [hbm4b:s3+s8], $0x20, s24, s8, $0xb8;
	[tilespmem:$0x14C00] =	vst v63  }
0x23: {  	_ = 	snop  }
0x24: {  	[tilespmem:s28], [sflag:$0x5] =	stream.indirect.gather [hbm4b:s3+s10], $0x20, s26, s10, $0xb8;
	[tilespmem:$0x14C00] =	vst v63  }
0x25: {  	_ = 	snop  }
0x26: {  	[tilespmem:s30], [sflag:$0x6] =	stream.indirect.gather [hbm4b:s3+s8], $0x20, s29, s8, $0xb8;
	[tilespmem:$0x14C00] =	vst v63  }
0x27: {  	_ = 	snop  }
0x28: {  	[tilespmem:s1], [sflag:$0x6] =	stream.indirect.gather [hbm4b:s3+s10], $0x20, s31, s10, $0xb8;
	[tilespmem:$0x14C00] =	vst v63  }
0x29: {  	_ = 	snop  }
0x2a: {  	[tilespmem:s9], [sflag:$0x7] =	stream.indirect.gather [hbm4b:s3+s8], $0x20, s0, s8, $0xb8;
	[tilespmem:$0x14C00] =	vst v63  }
0x2b: {  	s15 =	simm.s32 $0x0;
	s16 =	simm.s32 $0x0  }
0x2c: {  	[tilespmem:s12], [sflag:$0x7] =	stream.indirect.gather [hbm4b:s3+s10], $0x20, s11, s10, $0xb8;
	[tilespmem:$0x14C00] =	vst v63  }
.LBB2_2:
0x2d: {  	p0 =	sgt.u32 s16, $0x78  }
0x2e: {  	s17 =	sand.u32 $0x7, s15;
	s18 =	sadd.s32 @!p0 $0x7, s16  }
0x2f: {  	s17 =	smul.u32 $0x6400, s17;
	s19 =	sand.u32 @!p0 $0x7, s18  }
0x30: {  	s21 =	sand.u32 $0x7, s16;
	s20 =	smul.u32 @!p0 $0x6400, s19  }
0x31: {  	s23 =	simm.s32 @!p0 $0x68;
	s18 =	smul.u32 @!p0 $0x320, s18;
	s17 =	sshrl.u32 s17, $0x2  }
0x32: {  	s19 =	sadd.s32 @!p0 $0x1, s19;
	s17 =	sadd.s32 $0x6480, s17;
	s20 =	sshrl.u32 @!p0 s20, $0x2  }
0x33: {  	s18 =	sshra.s32 @!p0 s18, $0x2;
	s22 =	sadd.s32 @!p0 $0x6400, s20;
	s20 =	sadd.s32 @!p0 $0x7100, s20  }
0x34: {  	[tilespmem:s22], [sflag:s19] =	stream.indirect.gather @!p0 [hbm4b:s3+s23], $0x20, s18, s23, $0xb8;
	[tilespmem:$0x14C00] =	vst v63  }
0x35: {  	v0 =	vmov s17;
	s18 =	sadd.s32 @!p0 $0x68, s18;
	s22 =	simm.s32 @!p0 $0x60;
	s23 =	sadd.s32 $0x1, s21  }
0x36: {  	[tilespmem:s20], [sflag:s19] =	stream.indirect.gather @!p0 [hbm4b:s3+s22], $0x20, s18, s22, $0xb8;
	[tilespmem:$0x14C00] =	vst v63  }
0x37: {  	_ =	swait.ge [sflag:s23], $0x1900  }
0x38: {  	[sflag:s23] =	ssyncset.done $0x0  }
0x39: {  	s17 =	simm.s32 $0x0;
	[sflag:s23] =	ssyncadd.s32 $0xFFFFE700  }
0x3a: {  	v1 =	vld.idx.msk [tilespmem:v0+s17+$0x60 ss:$0x1], $0xffff  }
0x3b: {  	v4 =	vld.idx.msk [tilespmem:v0+s17+$0x40 ss:$0x1], $0xffff  }
0x3c: {  	v3 =	vld.idx.msk [tilespmem:v0+s17+$0x20 ss:$0x1], $0xffff  }
0x3d: {  	v11 =	vld.idx.msk [tilespmem:v0+s17+$0x0 ss:$0x1], $0xffff  }
0x3e: {  	v5 =	vld.idx.msk [tilespmem:v0+s17+$0xFFFFFFE0 ss:$0x1], $0xffff  }
0x3f: {  	v2 =	vld.idx.msk [tilespmem:v0+s17+$0xFFFFFFC0 ss:$0x1], $0xffff  }
0x40: {  	v12 =	vld.idx.msk [tilespmem:v0+s17+$0xFFFFFFA0 ss:$0x1], $0xffff  }
0x41: {  	v7 =	vimm.f32 $0.0e+00;
	v13 =	vld.idx.msk [tilespmem:v0+s17+$0xFFFFFF80 ss:$0x1], $0xffff  }
0x42: {  	v9 =	vimm.f32 $0.0e+00;
	v10 =	vimm.f32 $0.0e+00;
	v8 =	vimm.f32 $0.0e+00;
	s18 =	simm.s32 $0x400;
	v6 =	vld.idx.msk [tilespmem:v0+s17+$0xFFFFFF90 ss:$0x1], $0xffff  }
.LBB2_3:
0x43: {  	p0 =	sne.s32 s18, $0x6000;
	v14 =	vshll.u32 v1, $0x10;
	v15 =	vand.u32 $0xFFFF0000, v1  }
0x44: {  	v16 =	vshll.u32 v3, $0x10;
	v17 =	vshll.u32 v4, $0x10;
	v18 =	vand.u32 $0xFFFF0000, v4;
	v1 =	vld.idx.msk [tilespmem:v0+s17+$0xFFFFFFB0 ss:$0x1], $0xffff  }
0x45: {  	v19 =	vshll.u32 v11, $0x10;
	v11 =	vand.u32 $0xFFFF0000, v11;
	v20 =	vand.u32 $0xFFFF0000, v3  }
0x46: {  	v21 =	vshll.u32 v5, $0x10;
	v5 =	vand.u32 $0xFFFF0000, v5;
	v4 =	vshll.u32 v2, $0x10;
	v3 =	vld.idx.msk [tilespmem:v0+s17+$0xFFFFFFD0 ss:$0x1], $0xffff  }
0x47: {  	v2 =	vand.u32 $0xFFFF0000, v2;
	v22 =	vshll.u32 v12, $0x10;
	v12 =	vand.u32 $0xFFFF0000, v12  }
0x48: {  	v23 =	vshll.u32 v13, $0x10;
	v13 =	vand.u32 $0xFFFF0000, v13;
	v24 =	vshll.u32 v6, $0x10;
	v25 =	vld.idx.msk [tilespmem:v0+s17+$0xFFFFFFF0 ss:$0x1], $0xffff  }
0x49: {  	v7 =	vadd.f32 v23, v7;
	v9 =	vadd.f32 v13, v9;
	v6 =	vand.u32 $0xFFFF0000, v6  }
0x4a: {  	v10 =	vadd.f32 v24, v10;
	v6 =	vadd.f32 v6, v8;
	v8 =	vshll.u32 v1, $0x10;
	v13 =	vld.idx.msk [tilespmem:v0+s17+$0x10 ss:$0x1], $0xffff  }
0x4b: {  	v7 =	vadd.f32 v22, v7;
	v9 =	vadd.f32 v12, v9;
	v1 =	vand.u32 $0xFFFF0000, v1  }
0x4c: {  	v8 =	vadd.f32 v8, v10;
	v1 =	vadd.f32 v1, v6;
	v6 =	vshll.u32 v3, $0x10;
	v10 =	vld.idx.msk [tilespmem:v0+s17+$0x30 ss:$0x1], $0xffff  }
0x4d: {  	v4 =	vadd.f32 v4, v7;
	v2 =	vadd.f32 v2, v9;
	v3 =	vand.u32 $0xFFFF0000, v3  }
0x4e: {  	s19 =	sshra.s32 s18, $0x2;
	v6 =	vadd.f32 v6, v8;
	v3 =	vadd.f32 v3, v1;
	v7 =	vshll.u32 v25, $0x10;
	v8 =	vld.idx.msk [tilespmem:v0+s17+$0x50 ss:$0x1], $0xffff  }
0x4f: {  	v9 =	vadd.f32 v21, v4;
	v2 =	vadd.f32 v5, v2;
	v4 =	vand.u32 $0xFFFF0000, v25;
	v1 =	vld.idx.msk [tilespmem:v0+s19+$0x60 ss:$0x1], $0xffff  }
0x50: {  	v5 =	vadd.f32 v7, v6;
	v6 =	vadd.f32 v4, v3;
	v7 =	vshll.u32 v13, $0x10;
	v21 =	vld.idx.msk [tilespmem:v0+s17+$0x70 ss:$0x1], $0xffff;
	s17 =	smov.u32 s19  }
0x51: {  	v9 =	vadd.f32 v19, v9;
	v2 =	vadd.f32 v11, v2;
	v11 =	vand.u32 $0xFFFF0000, v13;
	v4 =	vld.idx.msk [tilespmem:v0+s17+$0x40 ss:$0x1], $0xffff  }
0x52: {  	v7 =	vadd.f32 v7, v5;
	v6 =	vadd.f32 v11, v6;
	v12 =	vshll.u32 v10, $0x10;
	v3 =	vld.idx.msk [tilespmem:v0+s17+$0x20 ss:$0x1], $0xffff  }
0x53: {  	v9 =	vadd.f32 v16, v9;
	v13 =	vadd.f32 v20, v2;
	v2 =	vand.u32 $0xFFFF0000, v10;
	v11 =	vld.idx.msk [tilespmem:v0+s17+$0x0 ss:$0x1], $0xffff  }
.Ltmp0:
0x54: {  	v7 =	vadd.f32 v12, v7;
	v6 =	vadd.f32 v2, v6;
	v10 =	vshll.u32 v8, $0x10;
	v5 =	vld.idx.msk [tilespmem:v0+s17+$0xFFFFFFE0 ss:$0x1], $0xffff;
	(pc) =	sbr.rel @p0 .LBB2_3-.Ltmp0, $4  }
0x55: {  	v9 =	vadd.f32 v17, v9;
	v16 =	vadd.f32 v18, v13;
	v8 =	vand.u32 $0xFFFF0000, v8;
	v2 =	vld.idx.msk [tilespmem:v0+s17+$0xFFFFFFC0 ss:$0x1], $0xffff  }
0x56: {  	v10 =	vadd.f32 v10, v7;
	v8 =	vadd.f32 v8, v6;
	v17 =	vshll.u32 v21, $0x10;
	v12 =	vld.idx.msk [tilespmem:v0+s17+$0xFFFFFFA0 ss:$0x1], $0xffff  }
0x57: {  	v7 =	vadd.f32 v14, v9;
	v9 =	vadd.f32 v15, v16;
	v14 =	vand.u32 $0xFFFF0000, v21;
	v13 =	vld.idx.msk [tilespmem:v0+s17+$0xFFFFFF80 ss:$0x1], $0xffff  }
0x58: {  	s18 =	sadd.s32 $0x400, s18;
	v10 =	vadd.f32 v17, v10;
	v8 =	vadd.f32 v14, v8;
	v6 =	vld.idx.msk [tilespmem:v0+s17+$0xFFFFFF90 ss:$0x1], $0xffff  }
0x59: {  	_ = 	snop  }
0x5a: {  	v14 =	vshll.u32 v1, $0x10  }
0x5b: {  	v34 =	vand.u32 $0xFFFF0000, v1;
	v15 =	vshll.u32 v3, $0x10;
	v16 =	vshll.u32 v4, $0x10  }
0x5c: {  	v35 =	vand.u32 $0xFFFF0000, v4;
	v17 =	vshll.u32 v11, $0x10;
	v36 =	vand.u32 $0xFFFF0000, v11  }
0x5d: {  	v18 =	vld.idx.msk [tilespmem:v0+s17+$0xFFFFFFB0 ss:$0x1], $0xffff;
	v37 =	vand.u32 $0xFFFF0000, v3;
	v20 =	vshll.u32 v5, $0x10;
	v38 =	vand.u32 $0xFFFF0000, v5  }
0x5e: {  	v19 =	vshll.u32 v2, $0x10;
	v41 =	vand.u32 $0xFFFF0000, v2;
	v22 =	vshll.u32 v13, $0x10  }
0x5f: {  	v23 =	vld.idx.msk [tilespmem:v0+s17+$0xFFFFFFD0 ss:$0x1], $0xffff;
	v21 =	vshll.u32 v12, $0x10;
	v40 =	vand.u32 $0xFFFF0000, v13;
	v7 =	vadd.f32 v22, v7  }
0x60: {  	v39 =	vand.u32 $0xFFFF0000, v12;
	v42 =	vshll.u32 v6, $0x10;
	v9 =	vadd.f32 v40, v9  }
0x61: {  	v43 =	vld.idx.msk [tilespmem:v0+s17+$0xFFFFFFF0 ss:$0x1], $0xffff;
	v44 =	vand.u32 $0xFFFF0000, v6;
	v10 =	vadd.f32 v42, v10;
	v7 =	vadd.f32 v21, v7  }
0x62: {  	v6 =	vadd.f32 v44, v8;
	v45 =	vshll.u32 v18, $0x10;
	v9 =	vadd.f32 v39, v9  }
0x63: {  	v46 =	vld.idx.msk [tilespmem:v0+s17+$0x10 ss:$0x1], $0xffff;
	v18 =	vand.u32 $0xFFFF0000, v18;
	v8 =	vadd.f32 v45, v10;
	v7 =	vadd.f32 v19, v7  }
0x64: {  	v47 =	vshll.u32 v23, $0x10;
	v6 =	vadd.f32 v18, v6;
	v2 =	vadd.f32 v41, v9  }
0x65: {  	v48 =	vld.idx.msk [tilespmem:v0+s17+$0x30 ss:$0x1], $0xffff;
	v49 =	vand.u32 $0xFFFF0000, v23;
	v8 =	vadd.f32 v47, v8;
	v7 =	vadd.f32 v20, v7  }
0x66: {  	v50 =	vshll.u32 v43, $0x10;
	v6 =	vadd.f32 v49, v6;
	v2 =	vadd.f32 v38, v2  }
0x67: {  	v51 =	vld.idx.msk [tilespmem:v0+s17+$0x50 ss:$0x1], $0xffff;
	v13 =	vand.u32 $0xFFFF0000, v43;
	v8 =	vadd.f32 v50, v8;
	v7 =	vadd.f32 v17, v7  }
0x68: {  	v52 =	vshll.u32 v46, $0x10;
	v6 =	vadd.f32 v13, v6;
	v2 =	vadd.f32 v36, v2  }
0x69: {  	v53 =	vld.idx.msk [tilespmem:v0+s17+$0x70 ss:$0x1], $0xffff;
	v54 =	vand.u32 $0xFFFF0000, v46;
	v8 =	vadd.f32 v52, v8;
	v7 =	vadd.f32 v15, v7  }
0x6a: {  	v55 =	vshll.u32 v48, $0x10;
	v6 =	vadd.f32 v54, v6;
	v2 =	vadd.f32 v37, v2  }
0x6b: {  	v56 =	vand.u32 $0xFFFF0000, v48;
	v8 =	vadd.f32 v55, v8;
	v7 =	vadd.f32 v16, v7  }
0x6c: {  	v57 =	vshll.u32 v51, $0x10;
	v3 =	vadd.f32 v56, v6;
	v2 =	vadd.f32 v35, v2  }
0x6d: {  	v58 =	vand.u32 $0xFFFF0000, v51;
	v59 =	vadd.f32 v57, v8;
	v60 =	vadd.f32 v14, v7  }
0x6e: {  	s23 =	sshll.u32 s16, $0x6;
	s16 =	sadd.s32 $0x1, s16;
	v61 =	vshll.u32 v53, $0x10;
	v3 =	vadd.f32 v58, v3;
	v1 =	vadd.f32 v34, v2  }
0x6f: {  	p0 =	sne.s32 s16, $0x80;
	v0 =	vand.u32 $0xFFFF0000, v53;
	v62 =	vadd.f32 v61, v59;
	v63 =	vmul.f32 $4.999999890e-03, v60  }
.Ltmp1:
0x70: {  	s17 =	sand.u32 $0x3FFFFFC0, s23;
	v0 =	vadd.f32 v0, v3;
	v1 =	vmul.f32 $4.999999890e-03, v1;
	(pc) =	sbr.rel @p0 .LBB2_2-.Ltmp1, $4  }
0x71: {  	v2 =	vmul.f32 $4.999999890e-03, v62;
	[tilespmem:s17+$0x12C00] =	vst v63  }
0x72: {  	v0 =	vmul.f32 $4.999999890e-03, v0;
	[tilespmem:s17+$0x12C10] =	vst v1  }
0x73: {  	[tilespmem:s17+$0x12C20] =	vst v2  }
0x74: {  	s15 =	sadd.s32 $0x1, s15;
	[tilespmem:s17+$0x12C30] =	vst v0  }
0x75: {  	s14 =	sadd.s32 $0x1, s14  }
0x76: {  	p0 =	sne.s32 s14, s6  }
.Ltmp2:
0x77: {  	_ = 	snop;
	(pc) =	sbr.rel @p0 .LBB2_1-.Ltmp2, $4  }
0x78: {  	[hbm4b:s5+s2] =	stream.linear.scatter [tilespmem:s13], [sflag:$0x9], $0x2000, $0x38;
	[tilespmem:$0x14C00] =	vst v63  }
0x79: {  	_ =	swait.ge [sflag:s7], $0x2000  }
0x7a: {  	[sflag:s7] =	ssyncset.done $0x0  }
0x7b: {  	[sflag:s7] =	ssyncadd.s32 $0xFFFFE000  }
0x7c: {  	_ =	sfence.sel $0x180000  }
0x7d: {  	[bflag:$0x0] =	sbarrier.arrive $0xFFFF  }
0x7e: {  	_ =	strace $0x90000047  }
0x7f: {  	s0 =	stileid.u32;
	[bflag:$0x2] =	sbarrier.arrive $0xFFFF  }
0x80: {  	p0 =	sne.s32 s0, $0x0;
	s0 =	rddreg [dreg:$0x1]  }
0x81: {  	s0 =	sadd.s32 @!p0 $0x100000, s0  }
0x82: {  	[sflag:s0] =	ssyncadd.tile.s32 @!p0 $0x1;
	_ =	shalt  }
.Lfunc_end2:
_tile_overlayer_lowered:
.L_overlay_start_2:
0x83: {  	(tag) =	ssettag $0x2  }
0x84: {  	s0 =	rddreg [dreg:$0x0];
	s2 =	stileid.u32  }
0x85: {  	s1 =	rddreg [dreg:$0x1];
	p0 =	sne.s32 s2, $0x0  }
0x86: {  	s3 =	rddreg [dreg:$0x2];
	[bflag:$0x3] =	sbarrier.arrive $0xFFFF;
	s2 =	simm.s32 @!p0 $0x1C09  }
0x87: {  	[timem:s3], [sflag:s2] =	dma.local @!p0 [hbm:s0], s1  }
0x88: {  	s0 =	simm.s32 @!p0 $0x9  }
0x89: {  	_ =	swait.ge @!p0 [sflag:s0], s1  }
0x8a: {  	s1 =	ssub.s32 @!p0 $0x0, s1;
	[sflag:s0] =	ssyncset.done @!p0 $0x0  }
0x8b: {  	[sflag:s0] =	ssyncadd.s32 @!p0 s1  }
0x8c: {  	[bflag:$0x3] =	sbarrier.arrive $0xFFFF  }
0x8d: {  	_ =	shalt  }

</sc_bundles>
